<compile_context>
chip_gen: v7x
topology: tpu7x:2x2x1
jax: 0.10.2.dev20260603
libtpu: 0.0.44.dev20260713+nightly
codegen_flags: <defaults>
</compile_context>

<pallas_src>
import functools

import jax
import jax.numpy as jnp
from jax import lax
from jax.experimental import pallas as pl
from jax.experimental.pallas import tpu as pltpu
from jax.experimental.pallas import tpu_sc as plsc

VOCAB = 1_000_000
EMB = 64
SENT_LEN = 50
RADIUS = 5
NEG_N = 5
BATCH = 4096

_NC = 2
_NS = 16
_NW = _NC * _NS

_SENT_ROWS = BATCH * SENT_LEN
_NEG_ROWS = BATCH * NEG_N
_ROWS_PER_W = _SENT_ROWS // _NW
_NEG_PER_W = _NEG_ROWS // _NW
_CHUNK = 128
_NCHUNK = 64
_N_CHUNKS = _ROWS_PER_W // _CHUNK
_N_NEG_CHUNKS = _NEG_PER_W // _CHUNK


def _sc_gather_body(packed_hbm, sent_idx, neg_idx, cg_out, ng_out,
                    idx_v, rows_a, rows_b, sem_a, sem_b,
                    rows_per_w, n_chunks, neg_per_w, n_neg_chunks):
    wid = lax.axis_index("s") * _NC + lax.axis_index("c")

    base = wid * rows_per_w

    def body(i, carry):
        off = pl.multiple_of(base + i * (2 * _CHUNK), _CHUNK)
        off2 = pl.multiple_of(off + _CHUNK, _CHUNK)
        pltpu.sync_copy(sent_idx.at[pl.ds(off, 2 * _CHUNK)], idx_v)
        cp_a = pltpu.async_copy(
            packed_hbm.at[idx_v.at[pl.ds(0, _CHUNK)]], rows_a, sem_a)
        cp_b = pltpu.async_copy(
            packed_hbm.at[idx_v.at[pl.ds(_CHUNK, _CHUNK)]], rows_b, sem_b)
        cp_a.wait()
        pltpu.sync_copy(rows_a, cg_out.at[pl.ds(off, _CHUNK)])
        cp_b.wait()
        pltpu.sync_copy(rows_b, cg_out.at[pl.ds(off2, _CHUNK)])
        return carry

    lax.fori_loop(0, n_chunks // 2, body, 0)

    if n_chunks % 2 == 1:
        off_t = pl.multiple_of(base + (n_chunks - 1) * _CHUNK, _CHUNK)
        pltpu.sync_copy(sent_idx.at[pl.ds(off_t, _CHUNK)],
                        idx_v.at[pl.ds(0, _CHUNK)])
        pltpu.async_copy(
            packed_hbm.at[idx_v.at[pl.ds(0, _CHUNK)]], rows_a, sem_a).wait()
        pltpu.sync_copy(rows_a, cg_out.at[pl.ds(off_t, _CHUNK)])

    nbase = wid * neg_per_w

    def nbody(i, carry):
        off = pl.multiple_of(nbase + i * _NCHUNK, _NCHUNK)
        pltpu.sync_copy(neg_idx.at[pl.ds(off, _NCHUNK)], idx_v.at[pl.ds(0, _NCHUNK)])
        pltpu.async_copy(
            packed_hbm.at[idx_v.at[pl.ds(0, _NCHUNK)]],
            rows_a.at[pl.ds(0, _NCHUNK)], sem_a).wait()
        pltpu.sync_copy(rows_a.at[pl.ds(0, _NCHUNK)], ng_out.at[pl.ds(off, _NCHUNK)])
        return carry

    lax.fori_loop(0, n_neg_chunks, nbody, 0)


def _sc_gather(packed, sent_idx, neg_idx):
    n_rows = sent_idx.shape[0]
    n_neg = neg_idx.shape[0]
    rows_per_w = n_rows // _NW
    neg_per_w = n_neg // _NW
    body = functools.partial(
        _sc_gather_body,
        rows_per_w=rows_per_w, n_chunks=rows_per_w // _CHUNK,
        neg_per_w=neg_per_w, n_neg_chunks=neg_per_w // _NCHUNK)
    mesh = plsc.VectorSubcoreMesh(core_axis_name="c", subcore_axis_name="s")
    fn = functools.partial(
        pl.kernel,
        mesh=mesh,
        out_type=[
            jax.ShapeDtypeStruct((n_rows, EMB), jnp.int32),
            jax.ShapeDtypeStruct((n_neg, EMB), jnp.int32),
        ],
        scratch_types=[
            pltpu.VMEM((2 * _CHUNK,), jnp.int32),
            pltpu.VMEM((_CHUNK, EMB), jnp.int32),
            pltpu.VMEM((_CHUNK, EMB), jnp.int32),
            pltpu.SemaphoreType.DMA,
            pltpu.SemaphoreType.DMA,
        ],
        compiler_params=pltpu.CompilerParams(use_tc_tiling_on_sc=False),
    )(body)
    return fn(packed, sent_idx, neg_idx)


_BB = 128
_GRID = BATCH // _BB
_R = _BB * SENT_LEN
_NSEG = 8
_SEG_S = _BB // _NSEG
_SEG_R = _SEG_S * SENT_LEN
_SEG_N = _SEG_S * NEG_N

_POS_SCALE = 1.0 / (BATCH * SENT_LEN * SENT_LEN)
_NEG_SCALE = 1.0 / (BATCH * SENT_LEN * NEG_N)


def _softplus(x):
    return jnp.maximum(x, 0.0) + jnp.log(1.0 + jnp.exp(-jnp.abs(x)))


def _unpack(x):
    c = lax.bitcast_convert_type(x << 16, jnp.float32)
    p = lax.bitcast_convert_type(x & jnp.int32(-65536), jnp.float32)
    return c, p


def _tc_loss_body(cg_ref, ng_ref, out_ref):
    pid = pl.program_id(0)
    cf32, pf32 = _unpack(cg_ref[...])
    cf = cf32.astype(jnp.bfloat16)
    pf = pf32.astype(jnp.bfloat16)
    nf = _unpack(ng_ref[...])[1].astype(jnp.bfloat16)

    lane = lax.broadcasted_iota(jnp.int32, (EMB, 128), 1)
    sims = jnp.zeros((_R, 128), jnp.float32)
    for k in range(10):
        d = k + 1 if k < 5 else k - 4
        if k < 5:
            prod = cf * pltpu.roll(pf, _R - d, 0)
        else:
            prod = pltpu.roll(cf, _R - d, 0) * pf
        rhs = jnp.where(lane == k, -1.0, 0.0).astype(jnp.bfloat16)
        sims = sims + jax.lax.dot(prod, rhs,
                                  preferred_element_type=jnp.float32)

    sp = jnp.minimum(_softplus(sims), 100.0)
    rowpos = lax.broadcasted_iota(jnp.int32, (_R, 128), 0) % SENT_LEN
    colk = lax.broadcasted_iota(jnp.int32, (_R, 128), 1)
    dcol = jnp.where(colk < 5, colk + 1, colk - 4)
    thresh = jnp.where(colk < 10, SENT_LEN - dcol, 0)
    w = jnp.where(rowpos < thresh, jnp.float32(_POS_SCALE), 0.0)
    acc = jnp.sum(sp * w)

    for g in range(_NSEG):
        cseg = cf[g * _SEG_R:(g + 1) * _SEG_R, :]
        nseg = nf[g * _SEG_N:(g + 1) * _SEG_N, :]
        s_ng = lax.dot_general(cseg, nseg, (((1,), (1,)), ((), ())),
                               preferred_element_type=jnp.float32)
        rsent = lax.broadcasted_iota(jnp.int32, (_SEG_R, _SEG_N), 0) // SENT_LEN
        lsent = lax.broadcasted_iota(jnp.int32, (_SEG_R, _SEG_N), 1) // NEG_N
        wn = jnp.where(rsent == lsent, jnp.float32(_NEG_SCALE), 0.0)
        acc = acc + jnp.sum(_softplus(s_ng) * wn)

    @pl.when(pid == 0)
    def _():
        out_ref[...] = jnp.zeros_like(out_ref)

    out_ref[...] += acc


def _tc_loss(cgp, ngp):
    return pl.pallas_call(
        _tc_loss_body,
        grid=(cgp.shape[0] // _R,),
        in_specs=[
            pl.BlockSpec((_R, EMB), lambda i: (i, 0)),
            pl.BlockSpec((_BB * NEG_N, EMB), lambda i: (i, 0)),
        ],
        out_specs=pl.BlockSpec((1, 1), lambda i: (0, 0)),
        out_shape=jax.ShapeDtypeStruct((1, 1), jnp.float32),
        compiler_params=pltpu.CompilerParams(
            dimension_semantics=("arbitrary",),
        ),
    )(cgp, ngp)


def kernel(sentences, center_table, context_table, negative_words):
    cb = lax.bitcast_convert_type(
        center_table.astype(jnp.bfloat16), jnp.uint16).astype(jnp.uint32)
    xb = lax.bitcast_convert_type(
        context_table.astype(jnp.bfloat16), jnp.uint16).astype(jnp.uint32)
    p64 = lax.bitcast_convert_type((xb << 16) | cb, jnp.int32)
    p128 = lax.optimization_barrier(p64.reshape(VOCAB // 2, 2 * EMB))
    packed = p128.reshape(VOCAB, EMB)

    sent_idx = sentences.reshape(-1).astype(jnp.int32)
    neg_idx = negative_words.reshape(-1).astype(jnp.int32)

    half_s = _SENT_ROWS // 2
    half_n = _NEG_ROWS // 2
    cgp1, ngp1 = _sc_gather(packed, sent_idx[:half_s], neg_idx[:half_n])
    cgp2, ngp2 = _sc_gather(packed, sent_idx[half_s:], neg_idx[half_n:])
    loss1 = _tc_loss(cgp1, ngp1)
    loss2 = _tc_loss(cgp2, ngp2)
    return loss1[0, 0] + loss2[0, 0]

# --- scband reference (transcript-rebuilt; emitter-appended) ---
"""Pipeline reference for scband-skip-gram-negative-sampling-trainer-54743653154931 (READ-ONLY COPY).

The authoritative reference and input builder live on the scoring server;
editing this copy changes nothing except your own understanding.
"""

import jax, jax.numpy as jnp
import numpy as np

VOCAB = 1000000
EMB = 64
SENT_LEN = 50
RADIUS = 5
NEG_N = 5
BATCH = 4096


def make_diag_mask(size, radius):
    idxs = jnp.arange(size)
    abs_idx_diff = jnp.abs(idxs[None, :] - idxs[:, None])
    return ((abs_idx_diff <= radius) & (abs_idx_diff > 0)).astype(jnp.float32)


def setup_inputs(seed: int = 0) -> dict:
    key = jax.random.key(seed)
    k1, k2, k3, k4 = jax.random.split(key, 4)
    sentences = jax.random.randint(k1, (BATCH, SENT_LEN), 0, VOCAB, dtype=jnp.int64 if jax.config.jax_enable_x64 else jnp.int32)
    center_table = jax.random.uniform(k2, (VOCAB, EMB), minval=-1.0 / EMB, maxval=1.0 / EMB, dtype=jnp.float32)
    center_table = center_table.at[0].set(0.0)
    context_table = jax.random.uniform(k3, (VOCAB, EMB), minval=-1.0 / EMB, maxval=1.0 / EMB, dtype=jnp.float32)
    context_table = context_table.at[0].set(0.0)
    # torch generates negative samples inside forward with torch.randint(1, vocab, ...);
    # we pre-generate them deterministically here for reproducibility.
    negative_words = jax.random.randint(k4, (BATCH, NEG_N), 1, VOCAB, dtype=jnp.int64 if jax.config.jax_enable_x64 else jnp.int32)
    return {"sentences": sentences, "center_table": center_table, "context_table": context_table, "negative_words": negative_words}


def reference(sentences, center_table, context_table, negative_words):
    mask = make_diag_mask(SENT_LEN, RADIUS)
    # embedding lookups (gathers)
    center_embeddings = jnp.take(center_table, sentences, axis=0)      # [B, S, E]
    positive_context_embs = jnp.take(context_table, sentences, axis=0)  # [B, S, E]
    # bmm: center @ context^T
    positive_sims = jnp.einsum('bse,bte->bst', center_embeddings, positive_context_embs)
    positive_probs = jax.nn.sigmoid(positive_sims)
    x = positive_probs * mask[None, :, :]
    t = jnp.broadcast_to(mask[None, :, :], x.shape)
    # binary_cross_entropy with torch-style log clamping at -100
    log_x = jnp.clip(jnp.log(jnp.maximum(x, 0.0)), -100.0, None)
    log_1mx = jnp.clip(jnp.log(jnp.maximum(1.0 - x, 0.0)), -100.0, None)
    positive_loss = jnp.mean(-(t * log_x + (1.0 - t) * log_1mx))
    # negative sampling branch
    negative_context_embs = jnp.take(context_table, negative_words, axis=0)  # [B, N, E]
    negative_sims = jnp.einsum('bse,bne->bsn', center_embeddings, negative_context_embs)
    # BCE-with-logits against zero targets == softplus(logits)
    negative_loss = jnp.mean(jnp.logaddexp(0.0, negative_sims))
    return positive_loss + negative_loss

if __name__ == "__main__":
    import jax
    _d = setup_inputs()
    print(jax.jit(kernel)(*tuple(_d.values())))

</pallas_src>

<mosaic_0001>
#map = affine_map<(d0, d1) -> (0, 0)>
#map1 = affine_map<(d0, d1) -> (0)>
module attributes {stable_mosaic.version = 14 : i64} {
  func.func @_sc_gather_body(%arg0: i32, %arg1: i32, %arg2: memref<1000000x64xi32, #tpu.memory_space<hbm>>, %arg3: memref<102400xi32, #tpu.memory_space<hbm>>, %arg4: memref<10240xi32, #tpu.memory_space<hbm>>, %arg5: memref<102400x64xi32, #tpu.memory_space<hbm>>, %arg6: memref<10240x64xi32, #tpu.memory_space<hbm>>, %arg7: memref<256xi32, #tpu.memory_space<vmem>>, %arg8: memref<128x64xi32, #tpu.memory_space<vmem>>, %arg9: memref<128x64xi32, #tpu.memory_space<vmem>>, %arg10: memref<!tpu.dma_semaphore, #tpu.memory_space<semaphore_mem>>, %arg11: memref<!tpu.dma_semaphore, #tpu.memory_space<semaphore_mem>>) attributes {dimension_semantics = [#tpu.dimension_semantics<core_parallel>, #tpu.dimension_semantics<subcore_parallel>], iteration_bounds = array<i64: 2, 16>, scalar_prefetch = 0 : i64, scratch_operands = 5 : i64, tpu.core_type = #tpu.core_type<sc_vector_subcore>, window_params = [{transform_indices = #map}, {transform_indices = #map1}, {transform_indices = #map1}, {transform_indices = #map}, {transform_indices = #map}]} {
    %mul3A = arith.constant 2 : i32
    %mul3A_0 = arith.muli %arg1, %mul3A : i32
    %add3A = arith.addi %mul3A_0, %arg0 : i32
    %mul3A_1 = arith.constant 3200 : i32
    %mul3A_2 = arith.muli %add3A, %mul3A_1 : i32
    %scan3A = arith.constant 0 : i32
    %scan3A_3 = arith.constant 0 : i32
    %scan3A_4 = arith.constant 12 : i32
    %scan3A_5 = arith.addi %scan3A_3, %scan3A_4 : i32
    %scan3A_6 = arith.constant 1 : i32
    scf.for %scan3A_26 = %scan3A_3 to %scan3A_5 step %scan3A_6  : i32 {
      %mul3A_27 = arith.constant 256 : i32
      %mul3A_28 = arith.muli %scan3A_26, %mul3A_27 : i32
      %add3A_29 = arith.addi %mul3A_2, %mul3A_28 : i32
      %multiple_of3A_30 = tpu.assume_multiple %add3A_29, 128 : i32
      %add3A_31 = arith.constant 128 : i32
      %add3A_32 = arith.addi %multiple_of3A_30, %add3A_31 : i32
      %multiple_of3A_33 = tpu.assume_multiple %add3A_32, 128 : i32
      "tpu.region"() ({
        %run_scoped3A = tpu.sem_alloc : memref<!tpu.dma_semaphore, #tpu.memory_space<semaphore_mem>>
        %dma_start3A_54 = tpu.memref_slice %arg3[%multiple_of3A_30] : memref<102400xi32, #tpu.memory_space<hbm>> -> memref<256xi32, #tpu.memory_space<hbm>>
        %dma_start3A_55 = tpu.memref_slice %arg3[%multiple_of3A_30] : memref<102400xi32, #tpu.memory_space<hbm>> -> memref<256xi32, #tpu.memory_space<hbm>>
        tpu.enqueue_dma source(%dma_start3A_55 : memref<256xi32, #tpu.memory_space<hbm>>) target(%arg7 : memref<256xi32, #tpu.memory_space<vmem>>) target_semaphore(%run_scoped3A : memref<!tpu.dma_semaphore, #tpu.memory_space<semaphore_mem>>)
        %dma_wait3A_56 = tpu.memref_slice %arg3[%multiple_of3A_30] : memref<102400xi32, #tpu.memory_space<hbm>> -> memref<256xi32, #tpu.memory_space<hbm>>
        %dma_wait3A_57 = tpu.memref_slice %arg3[%multiple_of3A_30] : memref<102400xi32, #tpu.memory_space<hbm>> -> memref<256xi32, #tpu.memory_space<hbm>>
        tpu.wait_dma2 semaphore(%run_scoped3A : memref<!tpu.dma_semaphore, #tpu.memory_space<semaphore_mem>>) src(%dma_wait3A_57 : memref<256xi32, #tpu.memory_space<hbm>>) dst(%arg7 : memref<256xi32, #tpu.memory_space<vmem>>)
        tpu.yield
      }) : () -> ()
      %dma_start3A_34 = arith.constant 0 : i32
      %dma_start3A_35 = tpu.memref_slice %arg7[%dma_start3A_34] : memref<256xi32, #tpu.memory_space<vmem>> -> memref<128xi32, #tpu.memory_space<vmem>>
      %dma_start3A_36 = arith.constant 0 : i32
      %dma_start3A_37 = arith.constant 0 : i32
      %dma_start3A_38 = tpu.memref_slice %arg2[%dma_start3A_36, %dma_start3A_37] : memref<1000000x64xi32, #tpu.memory_space<hbm>> -> memref<1000000x64xi32, #tpu.memory_space<hbm>>
      tpu.enqueue_indirect_dma source(%dma_start3A_38 : memref<1000000x64xi32, #tpu.memory_space<hbm>>) target(%arg8 : memref<128x64xi32, #tpu.memory_space<vmem>>) offsets(%dma_start3A_35 : memref<128xi32, #tpu.memory_space<vmem>>) semaphore(%arg10 : memref<!tpu.dma_semaphore, #tpu.memory_space<semaphore_mem>>)
      %dma_start3A_39 = arith.constant 128 : i32
      %dma_start3A_40 = tpu.memref_slice %arg7[%dma_start3A_39] : memref<256xi32, #tpu.memory_space<vmem>> -> memref<128xi32, #tpu.memory_space<vmem>>
      %dma_start3A_41 = arith.constant 0 : i32
      %dma_start3A_42 = arith.constant 0 : i32
      %dma_start3A_43 = tpu.memref_slice %arg2[%dma_start3A_41, %dma_start3A_42] : memref<1000000x64xi32, #tpu.memory_space<hbm>> -> memref<1000000x64xi32, #tpu.memory_space<hbm>>
      tpu.enqueue_indirect_dma source(%dma_start3A_43 : memref<1000000x64xi32, #tpu.memory_space<hbm>>) target(%arg9 : memref<128x64xi32, #tpu.memory_space<vmem>>) offsets(%dma_start3A_40 : memref<128xi32, #tpu.memory_space<vmem>>) semaphore(%arg11 : memref<!tpu.dma_semaphore, #tpu.memory_space<semaphore_mem>>)
      %dma_wait3A_44 = arith.constant 0 : i32
      %dma_wait3A_45 = tpu.memref_slice %arg7[%dma_wait3A_44] : memref<256xi32, #tpu.memory_space<vmem>> -> memref<128xi32, #tpu.memory_space<vmem>>
      %dma_wait3A_46 = arith.constant 0 : i32
      %dma_wait3A_47 = arith.constant 0 : i32
      %dma_wait3A_48 = tpu.memref_slice %arg2[%dma_wait3A_46, %dma_wait3A_47] : memref<1000000x64xi32, #tpu.memory_space<hbm>> -> memref<1000000x64xi32, #tpu.memory_space<hbm>>
      tpu.wait_indirect_dma semaphore(%arg10 : memref<!tpu.dma_semaphore, #tpu.memory_space<semaphore_mem>>) src(%dma_wait3A_48 : memref<1000000x64xi32, #tpu.memory_space<hbm>>) dst(%arg8 : memref<128x64xi32, #tpu.memory_space<vmem>>)
      "tpu.region"() ({
        %run_scoped3A = tpu.sem_alloc : memref<!tpu.dma_semaphore, #tpu.memory_space<semaphore_mem>>
        %dma_start3A_54 = arith.constant 0 : i32
        %dma_start3A_55 = tpu.memref_slice %arg5[%multiple_of3A_30, %dma_start3A_54] : memref<102400x64xi32, #tpu.memory_space<hbm>> -> memref<128x64xi32, #tpu.memory_space<hbm>>
        %dma_start3A_56 = arith.constant 0 : i32
        %dma_start3A_57 = tpu.memref_slice %arg5[%multiple_of3A_30, %dma_start3A_56] : memref<102400x64xi32, #tpu.memory_space<hbm>> -> memref<128x64xi32, #tpu.memory_space<hbm>>
        tpu.enqueue_dma source(%arg8 : memref<128x64xi32, #tpu.memory_space<vmem>>) target(%dma_start3A_57 : memref<128x64xi32, #tpu.memory_space<hbm>>) target_semaphore(%run_scoped3A : memref<!tpu.dma_semaphore, #tpu.memory_space<semaphore_mem>>)
        %dma_wait3A_58 = arith.constant 0 : i32
        %dma_wait3A_59 = tpu.memref_slice %arg5[%multiple_of3A_30, %dma_wait3A_58] : memref<102400x64xi32, #tpu.memory_space<hbm>> -> memref<128x64xi32, #tpu.memory_space<hbm>>
        %dma_wait3A_60 = arith.constant 0 : i32
        %dma_wait3A_61 = tpu.memref_slice %arg5[%multiple_of3A_30, %dma_wait3A_60] : memref<102400x64xi32, #tpu.memory_space<hbm>> -> memref<128x64xi32, #tpu.memory_space<hbm>>
        tpu.wait_dma2 semaphore(%run_scoped3A : memref<!tpu.dma_semaphore, #tpu.memory_space<semaphore_mem>>) src(%arg8 : memref<128x64xi32, #tpu.memory_space<vmem>>) dst(%dma_wait3A_61 : memref<128x64xi32, #tpu.memory_space<hbm>>)
        tpu.yield
      }) : () -> ()
      %dma_wait3A_49 = arith.constant 128 : i32
      %dma_wait3A_50 = tpu.memref_slice %arg7[%dma_wait3A_49] : memref<256xi32, #tpu.memory_space<vmem>> -> memref<128xi32, #tpu.memory_space<vmem>>
      %dma_wait3A_51 = arith.constant 0 : i32
      %dma_wait3A_52 = arith.constant 0 : i32
      %dma_wait3A_53 = tpu.memref_slice %arg2[%dma_wait3A_51, %dma_wait3A_52] : memref<1000000x64xi32, #tpu.memory_space<hbm>> -> memref<1000000x64xi32, #tpu.memory_space<hbm>>
      tpu.wait_indirect_dma semaphore(%arg11 : memref<!tpu.dma_semaphore, #tpu.memory_space<semaphore_mem>>) src(%dma_wait3A_53 : memref<1000000x64xi32, #tpu.memory_space<hbm>>) dst(%arg9 : memref<128x64xi32, #tpu.memory_space<vmem>>)
      "tpu.region"() ({
        %run_scoped3A = tpu.sem_alloc : memref<!tpu.dma_semaphore, #tpu.memory_space<semaphore_mem>>
        %dma_start3A_54 = arith.constant 0 : i32
        %dma_start3A_55 = tpu.memref_slice %arg5[%multiple_of3A_33, %dma_start3A_54] : memref<102400x64xi32, #tpu.memory_space<hbm>> -> memref<128x64xi32, #tpu.memory_space<hbm>>
        %dma_start3A_56 = arith.constant 0 : i32
        %dma_start3A_57 = tpu.memref_slice %arg5[%multiple_of3A_33, %dma_start3A_56] : memref<102400x64xi32, #tpu.memory_space<hbm>> -> memref<128x64xi32, #tpu.memory_space<hbm>>
        tpu.enqueue_dma source(%arg9 : memref<128x64xi32, #tpu.memory_space<vmem>>) target(%dma_start3A_57 : memref<128x64xi32, #tpu.memory_space<hbm>>) target_semaphore(%run_scoped3A : memref<!tpu.dma_semaphore, #tpu.memory_space<semaphore_mem>>)
        %dma_wait3A_58 = arith.constant 0 : i32
        %dma_wait3A_59 = tpu.memref_slice %arg5[%multiple_of3A_33, %dma_wait3A_58] : memref<102400x64xi32, #tpu.memory_space<hbm>> -> memref<128x64xi32, #tpu.memory_space<hbm>>
        %dma_wait3A_60 = arith.constant 0 : i32
        %dma_wait3A_61 = tpu.memref_slice %arg5[%multiple_of3A_33, %dma_wait3A_60] : memref<102400x64xi32, #tpu.memory_space<hbm>> -> memref<128x64xi32, #tpu.memory_space<hbm>>
        tpu.wait_dma2 semaphore(%run_scoped3A : memref<!tpu.dma_semaphore, #tpu.memory_space<semaphore_mem>>) src(%arg9 : memref<128x64xi32, #tpu.memory_space<vmem>>) dst(%dma_wait3A_61 : memref<128x64xi32, #tpu.memory_space<hbm>>)
        tpu.yield
      }) : () -> ()
    }
    %scan3A_7 = arith.constant 12 : i32
    %add3A_8 = arith.constant 3072 : i32
    %add3A_9 = arith.addi %mul3A_2, %add3A_8 : i32
    %multiple_of3A = tpu.assume_multiple %add3A_9, 128 : i32
    "tpu.region"() ({
      %run_scoped3A = tpu.sem_alloc : memref<!tpu.dma_semaphore, #tpu.memory_space<semaphore_mem>>
      %dma_start3A_26 = arith.constant 0 : i32
      %dma_start3A_27 = tpu.memref_slice %arg7[%dma_start3A_26] : memref<256xi32, #tpu.memory_space<vmem>> -> memref<128xi32, #tpu.memory_space<vmem>>
      %dma_start3A_28 = tpu.memref_slice %arg3[%multiple_of3A] : memref<102400xi32, #tpu.memory_space<hbm>> -> memref<128xi32, #tpu.memory_space<hbm>>
      %dma_start3A_29 = arith.constant 0 : i32
      %dma_start3A_30 = tpu.memref_slice %arg7[%dma_start3A_29] : memref<256xi32, #tpu.memory_space<vmem>> -> memref<128xi32, #tpu.memory_space<vmem>>
      %dma_start3A_31 = tpu.memref_slice %arg3[%multiple_of3A] : memref<102400xi32, #tpu.memory_space<hbm>> -> memref<128xi32, #tpu.memory_space<hbm>>
      tpu.enqueue_dma source(%dma_start3A_31 : memref<128xi32, #tpu.memory_space<hbm>>) target(%dma_start3A_30 : memref<128xi32, #tpu.memory_space<vmem>>) target_semaphore(%run_scoped3A : memref<!tpu.dma_semaphore, #tpu.memory_space<semaphore_mem>>)
      %dma_wait3A_32 = arith.constant 0 : i32
      %dma_wait3A_33 = tpu.memref_slice %arg7[%dma_wait3A_32] : memref<256xi32, #tpu.memory_space<vmem>> -> memref<128xi32, #tpu.memory_space<vmem>>
      %dma_wait3A_34 = tpu.memref_slice %arg3[%multiple_of3A] : memref<102400xi32, #tpu.memory_space<hbm>> -> memref<128xi32, #tpu.memory_space<hbm>>
      %dma_wait3A_35 = arith.constant 0 : i32
      %dma_wait3A_36 = tpu.memref_slice %arg7[%dma_wait3A_35] : memref<256xi32, #tpu.memory_space<vmem>> -> memref<128xi32, #tpu.memory_space<vmem>>
      %dma_wait3A_37 = tpu.memref_slice %arg3[%multiple_of3A] : memref<102400xi32, #tpu.memory_space<hbm>> -> memref<128xi32, #tpu.memory_space<hbm>>
      tpu.wait_dma2 semaphore(%run_scoped3A : memref<!tpu.dma_semaphore, #tpu.memory_space<semaphore_mem>>) src(%dma_wait3A_37 : memref<128xi32, #tpu.memory_space<hbm>>) dst(%dma_wait3A_36 : memref<128xi32, #tpu.memory_space<vmem>>)
      tpu.yield
    }) : () -> ()
    %dma_start3A = arith.constant 0 : i32
    %dma_start3A_10 = tpu.memref_slice %arg7[%dma_start3A] : memref<256xi32, #tpu.memory_space<vmem>> -> memref<128xi32, #tpu.memory_space<vmem>>
    %dma_start3A_11 = arith.constant 0 : i32
    %dma_start3A_12 = arith.constant 0 : i32
    %dma_start3A_13 = tpu.memref_slice %arg2[%dma_start3A_11, %dma_start3A_12] : memref<1000000x64xi32, #tpu.memory_space<hbm>> -> memref<1000000x64xi32, #tpu.memory_space<hbm>>
    tpu.enqueue_indirect_dma source(%dma_start3A_13 : memref<1000000x64xi32, #tpu.memory_space<hbm>>) target(%arg8 : memref<128x64xi32, #tpu.memory_space<vmem>>) offsets(%dma_start3A_10 : memref<128xi32, #tpu.memory_space<vmem>>) semaphore(%arg10 : memref<!tpu.dma_semaphore, #tpu.memory_space<semaphore_mem>>)
    %dma_wait3A = arith.constant 0 : i32
    %dma_wait3A_14 = tpu.memref_slice %arg7[%dma_wait3A] : memref<256xi32, #tpu.memory_space<vmem>> -> memref<128xi32, #tpu.memory_space<vmem>>
    %dma_wait3A_15 = arith.constant 0 : i32
    %dma_wait3A_16 = arith.constant 0 : i32
    %dma_wait3A_17 = tpu.memref_slice %arg2[%dma_wait3A_15, %dma_wait3A_16] : memref<1000000x64xi32, #tpu.memory_space<hbm>> -> memref<1000000x64xi32, #tpu.memory_space<hbm>>
    tpu.wait_indirect_dma semaphore(%arg10 : memref<!tpu.dma_semaphore, #tpu.memory_space<semaphore_mem>>) src(%dma_wait3A_17 : memref<1000000x64xi32, #tpu.memory_space<hbm>>) dst(%arg8 : memref<128x64xi32, #tpu.memory_space<vmem>>)
    "tpu.region"() ({
      %run_scoped3A = tpu.sem_alloc : memref<!tpu.dma_semaphore, #tpu.memory_space<semaphore_mem>>
      %dma_start3A_26 = arith.constant 0 : i32
      %dma_start3A_27 = tpu.memref_slice %arg5[%multiple_of3A, %dma_start3A_26] : memref<102400x64xi32, #tpu.memory_space<hbm>> -> memref<128x64xi32, #tpu.memory_space<hbm>>
      %dma_start3A_28 = arith.constant 0 : i32
      %dma_start3A_29 = tpu.memref_slice %arg5[%multiple_of3A, %dma_start3A_28] : memref<102400x64xi32, #tpu.memory_space<hbm>> -> memref<128x64xi32, #tpu.memory_space<hbm>>
      tpu.enqueue_dma source(%arg8 : memref<128x64xi32, #tpu.memory_space<vmem>>) target(%dma_start3A_29 : memref<128x64xi32, #tpu.memory_space<hbm>>) target_semaphore(%run_scoped3A : memref<!tpu.dma_semaphore, #tpu.memory_space<semaphore_mem>>)
      %dma_wait3A_30 = arith.constant 0 : i32
      %dma_wait3A_31 = tpu.memref_slice %arg5[%multiple_of3A, %dma_wait3A_30] : memref<102400x64xi32, #tpu.memory_space<hbm>> -> memref<128x64xi32, #tpu.memory_space<hbm>>
      %dma_wait3A_32 = arith.constant 0 : i32
      %dma_wait3A_33 = tpu.memref_slice %arg5[%multiple_of3A, %dma_wait3A_32] : memref<102400x64xi32, #tpu.memory_space<hbm>> -> memref<128x64xi32, #tpu.memory_space<hbm>>
      tpu.wait_dma2 semaphore(%run_scoped3A : memref<!tpu.dma_semaphore, #tpu.memory_space<semaphore_mem>>) src(%arg8 : memref<128x64xi32, #tpu.memory_space<vmem>>) dst(%dma_wait3A_33 : memref<128x64xi32, #tpu.memory_space<hbm>>)
      tpu.yield
    }) : () -> ()
    %mul3A_18 = arith.constant 320 : i32
    %mul3A_19 = arith.muli %add3A, %mul3A_18 : i32
    %scan3A_20 = arith.constant 0 : i32
    %scan3A_21 = arith.constant 0 : i32
    %scan3A_22 = arith.constant 5 : i32
    %scan3A_23 = arith.addi %scan3A_21, %scan3A_22 : i32
    %scan3A_24 = arith.constant 1 : i32
    scf.for %scan3A_26 = %scan3A_21 to %scan3A_23 step %scan3A_24  : i32 {
      %mul3A_27 = arith.constant 64 : i32
      %mul3A_28 = arith.muli %scan3A_26, %mul3A_27 : i32
      %add3A_29 = arith.addi %mul3A_19, %mul3A_28 : i32
      %multiple_of3A_30 = tpu.assume_multiple %add3A_29, 64 : i32
      "tpu.region"() ({
        %run_scoped3A = tpu.sem_alloc : memref<!tpu.dma_semaphore, #tpu.memory_space<semaphore_mem>>
        %dma_start3A_47 = arith.constant 0 : i32
        %dma_start3A_48 = tpu.memref_slice %arg7[%dma_start3A_47] : memref<256xi32, #tpu.memory_space<vmem>> -> memref<64xi32, #tpu.memory_space<vmem>>
        %dma_start3A_49 = tpu.memref_slice %arg4[%multiple_of3A_30] : memref<10240xi32, #tpu.memory_space<hbm>> -> memref<64xi32, #tpu.memory_space<hbm>>
        %dma_start3A_50 = arith.constant 0 : i32
        %dma_start3A_51 = tpu.memref_slice %arg7[%dma_start3A_50] : memref<256xi32, #tpu.memory_space<vmem>> -> memref<64xi32, #tpu.memory_space<vmem>>
        %dma_start3A_52 = tpu.memref_slice %arg4[%multiple_of3A_30] : memref<10240xi32, #tpu.memory_space<hbm>> -> memref<64xi32, #tpu.memory_space<hbm>>
        tpu.enqueue_dma source(%dma_start3A_52 : memref<64xi32, #tpu.memory_space<hbm>>) target(%dma_start3A_51 : memref<64xi32, #tpu.memory_space<vmem>>) target_semaphore(%run_scoped3A : memref<!tpu.dma_semaphore, #tpu.memory_space<semaphore_mem>>)
        %dma_wait3A_53 = arith.constant 0 : i32
        %dma_wait3A_54 = tpu.memref_slice %arg7[%dma_wait3A_53] : memref<256xi32, #tpu.memory_space<vmem>> -> memref<64xi32, #tpu.memory_space<vmem>>
        %dma_wait3A_55 = tpu.memref_slice %arg4[%multiple_of3A_30] : memref<10240xi32, #tpu.memory_space<hbm>> -> memref<64xi32, #tpu.memory_space<hbm>>
        %dma_wait3A_56 = arith.constant 0 : i32
        %dma_wait3A_57 = tpu.memref_slice %arg7[%dma_wait3A_56] : memref<256xi32, #tpu.memory_space<vmem>> -> memref<64xi32, #tpu.memory_space<vmem>>
        %dma_wait3A_58 = tpu.memref_slice %arg4[%multiple_of3A_30] : memref<10240xi32, #tpu.memory_space<hbm>> -> memref<64xi32, #tpu.memory_space<hbm>>
        tpu.wait_dma2 semaphore(%run_scoped3A : memref<!tpu.dma_semaphore, #tpu.memory_space<semaphore_mem>>) src(%dma_wait3A_58 : memref<64xi32, #tpu.memory_space<hbm>>) dst(%dma_wait3A_57 : memref<64xi32, #tpu.memory_space<vmem>>)
        tpu.yield
      }) : () -> ()
      %dma_start3A_31 = arith.constant 0 : i32
      %dma_start3A_32 = arith.constant 0 : i32
      %dma_start3A_33 = tpu.memref_slice %arg8[%dma_start3A_31, %dma_start3A_32] : memref<128x64xi32, #tpu.memory_space<vmem>> -> memref<64x64xi32, #tpu.memory_space<vmem>>
      %dma_start3A_34 = arith.constant 0 : i32
      %dma_start3A_35 = tpu.memref_slice %arg7[%dma_start3A_34] : memref<256xi32, #tpu.memory_space<vmem>> -> memref<64xi32, #tpu.memory_space<vmem>>
      %dma_start3A_36 = arith.constant 0 : i32
      %dma_start3A_37 = arith.constant 0 : i32
      %dma_start3A_38 = tpu.memref_slice %arg2[%dma_start3A_36, %dma_start3A_37] : memref<1000000x64xi32, #tpu.memory_space<hbm>> -> memref<1000000x64xi32, #tpu.memory_space<hbm>>
      tpu.enqueue_indirect_dma source(%dma_start3A_38 : memref<1000000x64xi32, #tpu.memory_space<hbm>>) target(%dma_start3A_33 : memref<64x64xi32, #tpu.memory_space<vmem>>) offsets(%dma_start3A_35 : memref<64xi32, #tpu.memory_space<vmem>>) semaphore(%arg10 : memref<!tpu.dma_semaphore, #tpu.memory_space<semaphore_mem>>)
      %dma_wait3A_39 = arith.constant 0 : i32
      %dma_wait3A_40 = arith.constant 0 : i32
      %dma_wait3A_41 = tpu.memref_slice %arg8[%dma_wait3A_39, %dma_wait3A_40] : memref<128x64xi32, #tpu.memory_space<vmem>> -> memref<64x64xi32, #tpu.memory_space<vmem>>
      %dma_wait3A_42 = arith.constant 0 : i32
      %dma_wait3A_43 = tpu.memref_slice %arg7[%dma_wait3A_42] : memref<256xi32, #tpu.memory_space<vmem>> -> memref<64xi32, #tpu.memory_space<vmem>>
      %dma_wait3A_44 = arith.constant 0 : i32
      %dma_wait3A_45 = arith.constant 0 : i32
      %dma_wait3A_46 = tpu.memref_slice %arg2[%dma_wait3A_44, %dma_wait3A_45] : memref<1000000x64xi32, #tpu.memory_space<hbm>> -> memref<1000000x64xi32, #tpu.memory_space<hbm>>
      tpu.wait_indirect_dma semaphore(%arg10 : memref<!tpu.dma_semaphore, #tpu.memory_space<semaphore_mem>>) src(%dma_wait3A_46 : memref<1000000x64xi32, #tpu.memory_space<hbm>>) dst(%dma_wait3A_41 : memref<64x64xi32, #tpu.memory_space<vmem>>)
      "tpu.region"() ({
        %run_scoped3A = tpu.sem_alloc : memref<!tpu.dma_semaphore, #tpu.memory_space<semaphore_mem>>
        %dma_start3A_47 = arith.constant 0 : i32
        %dma_start3A_48 = arith.constant 0 : i32
        %dma_start3A_49 = tpu.memref_slice %arg8[%dma_start3A_47, %dma_start3A_48] : memref<128x64xi32, #tpu.memory_space<vmem>> -> memref<64x64xi32, #tpu.memory_space<vmem>>
        %dma_start3A_50 = arith.constant 0 : i32
        %dma_start3A_51 = tpu.memref_slice %arg6[%multiple_of3A_30, %dma_start3A_50] : memref<10240x64xi32, #tpu.memory_space<hbm>> -> memref<64x64xi32, #tpu.memory_space<hbm>>
        %dma_start3A_52 = arith.constant 0 : i32
        %dma_start3A_53 = tpu.memref_slice %arg6[%multiple_of3A_30, %dma_start3A_52] : memref<10240x64xi32, #tpu.memory_space<hbm>> -> memref<64x64xi32, #tpu.memory_space<hbm>>
        %dma_start3A_54 = arith.constant 0 : i32
        %dma_start3A_55 = arith.constant 0 : i32
        %dma_start3A_56 = tpu.memref_slice %arg8[%dma_start3A_54, %dma_start3A_55] : memref<128x64xi32, #tpu.memory_space<vmem>> -> memref<64x64xi32, #tpu.memory_space<vmem>>
        tpu.enqueue_dma source(%dma_start3A_56 : memref<64x64xi32, #tpu.memory_space<vmem>>) target(%dma_start3A_53 : memref<64x64xi32, #tpu.memory_space<hbm>>) target_semaphore(%run_scoped3A : memref<!tpu.dma_semaphore, #tpu.memory_space<semaphore_mem>>)
        %dma_wait3A_57 = arith.constant 0 : i32
        %dma_wait3A_58 = arith.constant 0 : i32
        %dma_wait3A_59 = tpu.memref_slice %arg8[%dma_wait3A_57, %dma_wait3A_58] : memref<128x64xi32, #tpu.memory_space<vmem>> -> memref<64x64xi32, #tpu.memory_space<vmem>>
        %dma_wait3A_60 = arith.constant 0 : i32
        %dma_wait3A_61 = tpu.memref_slice %arg6[%multiple_of3A_30, %dma_wait3A_60] : memref<10240x64xi32, #tpu.memory_space<hbm>> -> memref<64x64xi32, #tpu.memory_space<hbm>>
        %dma_wait3A_62 = arith.constant 0 : i32
        %dma_wait3A_63 = tpu.memref_slice %arg6[%multiple_of3A_30, %dma_wait3A_62] : memref<10240x64xi32, #tpu.memory_space<hbm>> -> memref<64x64xi32, #tpu.memory_space<hbm>>
        %dma_wait3A_64 = arith.constant 0 : i32
        %dma_wait3A_65 = arith.constant 0 : i32
        %dma_wait3A_66 = tpu.memref_slice %arg8[%dma_wait3A_64, %dma_wait3A_65] : memref<128x64xi32, #tpu.memory_space<vmem>> -> memref<64x64xi32, #tpu.memory_space<vmem>>
        tpu.wait_dma2 semaphore(%run_scoped3A : memref<!tpu.dma_semaphore, #tpu.memory_space<semaphore_mem>>) src(%dma_wait3A_66 : memref<64x64xi32, #tpu.memory_space<vmem>>) dst(%dma_wait3A_63 : memref<64x64xi32, #tpu.memory_space<hbm>>)
        tpu.yield
      }) : () -> ()
    }
    %scan3A_25 = arith.constant 5 : i32
    return
  }
}

#map = affine_map<(d0, d1) -> (0, 0)>
#map1 = affine_map<(d0, d1) -> (0)>
module attributes {stable_mosaic.version = 14 : i64} {
  func.func @_sc_gather_body(%arg0: i32, %arg1: i32, %arg2: memref<1000000x64xi32, #tpu.memory_space<hbm>>, %arg3: memref<102400xi32, #tpu.memory_space<hbm>>, %arg4: memref<10240xi32, #tpu.memory_space<hbm>>, %arg5: memref<102400x64xi32, #tpu.memory_space<hbm>>, %arg6: memref<10240x64xi32, #tpu.memory_space<hbm>>, %arg7: memref<256xi32, #tpu.memory_space<vmem>>, %arg8: memref<128x64xi32, #tpu.memory_space<vmem>>, %arg9: memref<128x64xi32, #tpu.memory_space<vmem>>, %arg10: memref<!tpu.dma_semaphore, #tpu.memory_space<semaphore_mem>>, %arg11: memref<!tpu.dma_semaphore, #tpu.memory_space<semaphore_mem>>) attributes {dimension_semantics = [#tpu.dimension_semantics<core_parallel>, #tpu.dimension_semantics<subcore_parallel>], iteration_bounds = array<i64: 2, 16>, scalar_prefetch = 0 : i64, scratch_operands = 5 : i64, tpu.core_type = #tpu.core_type<sc_vector_subcore>, window_params = [{transform_indices = #map}, {transform_indices = #map1}, {transform_indices = #map1}, {transform_indices = #map}, {transform_indices = #map}]} {
    %mul3A = arith.constant 2 : i32
    %mul3A_0 = arith.muli %arg1, %mul3A : i32
    %add3A = arith.addi %mul3A_0, %arg0 : i32
    %mul3A_1 = arith.constant 3200 : i32
    %mul3A_2 = arith.muli %add3A, %mul3A_1 : i32
    %scan3A = arith.constant 0 : i32
    %scan3A_3 = arith.constant 0 : i32
    %scan3A_4 = arith.constant 12 : i32
    %scan3A_5 = arith.addi %scan3A_3, %scan3A_4 : i32
    %scan3A_6 = arith.constant 1 : i32
    scf.for %scan3A_26 = %scan3A_3 to %scan3A_5 step %scan3A_6  : i32 {
      %mul3A_27 = arith.constant 256 : i32
      %mul3A_28 = arith.muli %scan3A_26, %mul3A_27 : i32
      %add3A_29 = arith.addi %mul3A_2, %mul3A_28 : i32
      %multiple_of3A_30 = tpu.assume_multiple %add3A_29, 128 : i32
      %add3A_31 = arith.constant 128 : i32
      %add3A_32 = arith.addi %multiple_of3A_30, %add3A_31 : i32
      %multiple_of3A_33 = tpu.assume_multiple %add3A_32, 128 : i32
      "tpu.region"() ({
        %run_scoped3A = tpu.sem_alloc : memref<!tpu.dma_semaphore, #tpu.memory_space<semaphore_mem>>
        %dma_start3A_54 = tpu.memref_slice %arg3[%multiple_of3A_30] : memref<102400xi32, #tpu.memory_space<hbm>> -> memref<256xi32, #tpu.memory_space<hbm>>
        %dma_start3A_55 = tpu.memref_slice %arg3[%multiple_of3A_30] : memref<102400xi32, #tpu.memory_space<hbm>> -> memref<256xi32, #tpu.memory_space<hbm>>
        tpu.enqueue_dma source(%dma_start3A_55 : memref<256xi32, #tpu.memory_space<hbm>>) target(%arg7 : memref<256xi32, #tpu.memory_space<vmem>>) target_semaphore(%run_scoped3A : memref<!tpu.dma_semaphore, #tpu.memory_space<semaphore_mem>>)
        %dma_wait3A_56 = tpu.memref_slice %arg3[%multiple_of3A_30] : memref<102400xi32, #tpu.memory_space<hbm>> -> memref<256xi32, #tpu.memory_space<hbm>>
        %dma_wait3A_57 = tpu.memref_slice %arg3[%multiple_of3A_30] : memref<102400xi32, #tpu.memory_space<hbm>> -> memref<256xi32, #tpu.memory_space<hbm>>
        tpu.wait_dma2 semaphore(%run_scoped3A : memref<!tpu.dma_semaphore, #tpu.memory_space<semaphore_mem>>) src(%dma_wait3A_57 : memref<256xi32, #tpu.memory_space<hbm>>) dst(%arg7 : memref<256xi32, #tpu.memory_space<vmem>>)
        tpu.yield
      }) : () -> ()
      %dma_start3A_34 = arith.constant 0 : i32
      %dma_start3A_35 = tpu.memref_slice %arg7[%dma_start3A_34] : memref<256xi32, #tpu.memory_space<vmem>> -> memref<128xi32, #tpu.memory_space<vmem>>
      %dma_start3A_36 = arith.constant 0 : i32
      %dma_start3A_37 = arith.constant 0 : i32
      %dma_start3A_38 = tpu.memref_slice %arg2[%dma_start3A_36, %dma_start3A_37] : memref<1000000x64xi32, #tpu.memory_space<hbm>> -> memref<1000000x64xi32, #tpu.memory_space<hbm>>
      tpu.enqueue_indirect_dma source(%dma_start3A_38 : memref<1000000x64xi32, #tpu.memory_space<hbm>>) target(%arg8 : memref<128x64xi32, #tpu.memory_space<vmem>>) offsets(%dma_start3A_35 : memref<128xi32, #tpu.memory_space<vmem>>) semaphore(%arg10 : memref<!tpu.dma_semaphore, #tpu.memory_space<semaphore_mem>>)
      %dma_start3A_39 = arith.constant 128 : i32
      %dma_start3A_40 = tpu.memref_slice %arg7[%dma_start3A_39] : memref<256xi32, #tpu.memory_space<vmem>> -> memref<128xi32, #tpu.memory_space<vmem>>
      %dma_start3A_41 = arith.constant 0 : i32
      %dma_start3A_42 = arith.constant 0 : i32
      %dma_start3A_43 = tpu.memref_slice %arg2[%dma_start3A_41, %dma_start3A_42] : memref<1000000x64xi32, #tpu.memory_space<hbm>> -> memref<1000000x64xi32, #tpu.memory_space<hbm>>
      tpu.enqueue_indirect_dma source(%dma_start3A_43 : memref<1000000x64xi32, #tpu.memory_space<hbm>>) target(%arg9 : memref<128x64xi32, #tpu.memory_space<vmem>>) offsets(%dma_start3A_40 : memref<128xi32, #tpu.memory_space<vmem>>) semaphore(%arg11 : memref<!tpu.dma_semaphore, #tpu.memory_space<semaphore_mem>>)
      %dma_wait3A_44 = arith.constant 0 : i32
      %dma_wait3A_45 = tpu.memref_slice %arg7[%dma_wait3A_44] : memref<256xi32, #tpu.memory_space<vmem>> -> memref<128xi32, #tpu.memory_space<vmem>>
      %dma_wait3A_46 = arith.constant 0 : i32
      %dma_wait3A_47 = arith.constant 0 : i32
      %dma_wait3A_48 = tpu.memref_slice %arg2[%dma_wait3A_46, %dma_wait3A_47] : memref<1000000x64xi32, #tpu.memory_space<hbm>> -> memref<1000000x64xi32, #tpu.memory_space<hbm>>
      tpu.wait_indirect_dma semaphore(%arg10 : memref<!tpu.dma_semaphore, #tpu.memory_space<semaphore_mem>>) src(%dma_wait3A_48 : memref<1000000x64xi32, #tpu.memory_space<hbm>>) dst(%arg8 : memref<128x64xi32, #tpu.memory_space<vmem>>)
      "tpu.region"() ({
        %run_scoped3A = tpu.sem_alloc : memref<!tpu.dma_semaphore, #tpu.memory_space<semaphore_mem>>
        %dma_start3A_54 = arith.constant 0 : i32
        %dma_start3A_55 = tpu.memref_slice %arg5[%multiple_of3A_30, %dma_start3A_54] : memref<102400x64xi32, #tpu.memory_space<hbm>> -> memref<128x64xi32, #tpu.memory_space<hbm>>
        %dma_start3A_56 = arith.constant 0 : i32
        %dma_start3A_57 = tpu.memref_slice %arg5[%multiple_of3A_30, %dma_start3A_56] : memref<102400x64xi32, #tpu.memory_space<hbm>> -> memref<128x64xi32, #tpu.memory_space<hbm>>
        tpu.enqueue_dma source(%arg8 : memref<128x64xi32, #tpu.memory_space<vmem>>) target(%dma_start3A_57 : memref<128x64xi32, #tpu.memory_space<hbm>>) target_semaphore(%run_scoped3A : memref<!tpu.dma_semaphore, #tpu.memory_space<semaphore_mem>>)
        %dma_wait3A_58 = arith.constant 0 : i32
        %dma_wait3A_59 = tpu.memref_slice %arg5[%multiple_of3A_30, %dma_wait3A_58] : memref<102400x64xi32, #tpu.memory_space<hbm>> -> memref<128x64xi32, #tpu.memory_space<hbm>>
        %dma_wait3A_60 = arith.constant 0 : i32
        %dma_wait3A_61 = tpu.memref_slice %arg5[%multiple_of3A_30, %dma_wait3A_60] : memref<102400x64xi32, #tpu.memory_space<hbm>> -> memref<128x64xi32, #tpu.memory_space<hbm>>
        tpu.wait_dma2 semaphore(%run_scoped3A : memref<!tpu.dma_semaphore, #tpu.memory_space<semaphore_mem>>) src(%arg8 : memref<128x64xi32, #tpu.memory_space<vmem>>) dst(%dma_wait3A_61 : memref<128x64xi32, #tpu.memory_space<hbm>>)
        tpu.yield
      }) : () -> ()
      %dma_wait3A_49 = arith.constant 128 : i32
      %dma_wait3A_50 = tpu.memref_slice %arg7[%dma_wait3A_49] : memref<256xi32, #tpu.memory_space<vmem>> -> memref<128xi32, #tpu.memory_space<vmem>>
      %dma_wait3A_51 = arith.constant 0 : i32
      %dma_wait3A_52 = arith.constant 0 : i32
      %dma_wait3A_53 = tpu.memref_slice %arg2[%dma_wait3A_51, %dma_wait3A_52] : memref<1000000x64xi32, #tpu.memory_space<hbm>> -> memref<1000000x64xi32, #tpu.memory_space<hbm>>
      tpu.wait_indirect_dma semaphore(%arg11 : memref<!tpu.dma_semaphore, #tpu.memory_space<semaphore_mem>>) src(%dma_wait3A_53 : memref<1000000x64xi32, #tpu.memory_space<hbm>>) dst(%arg9 : memref<128x64xi32, #tpu.memory_space<vmem>>)
      "tpu.region"() ({
        %run_scoped3A = tpu.sem_alloc : memref<!tpu.dma_semaphore, #tpu.memory_space<semaphore_mem>>
        %dma_start3A_54 = arith.constant 0 : i32
        %dma_start3A_55 = tpu.memref_slice %arg5[%multiple_of3A_33, %dma_start3A_54] : memref<102400x64xi32, #tpu.memory_space<hbm>> -> memref<128x64xi32, #tpu.memory_space<hbm>>
        %dma_start3A_56 = arith.constant 0 : i32
        %dma_start3A_57 = tpu.memref_slice %arg5[%multiple_of3A_33, %dma_start3A_56] : memref<102400x64xi32, #tpu.memory_space<hbm>> -> memref<128x64xi32, #tpu.memory_space<hbm>>
        tpu.enqueue_dma source(%arg9 : memref<128x64xi32, #tpu.memory_space<vmem>>) target(%dma_start3A_57 : memref<128x64xi32, #tpu.memory_space<hbm>>) target_semaphore(%run_scoped3A : memref<!tpu.dma_semaphore, #tpu.memory_space<semaphore_mem>>)
        %dma_wait3A_58 = arith.constant 0 : i32
        %dma_wait3A_59 = tpu.memref_slice %arg5[%multiple_of3A_33, %dma_wait3A_58] : memref<102400x64xi32, #tpu.memory_space<hbm>> -> memref<128x64xi32, #tpu.memory_space<hbm>>
        %dma_wait3A_60 = arith.constant 0 : i32
        %dma_wait3A_61 = tpu.memref_slice %arg5[%multiple_of3A_33, %dma_wait3A_60] : memref<102400x64xi32, #tpu.memory_space<hbm>> -> memref<128x64xi32, #tpu.memory_space<hbm>>
        tpu.wait_dma2 semaphore(%run_scoped3A : memref<!tpu.dma_semaphore, #tpu.memory_space<semaphore_mem>>) src(%arg9 : memref<128x64xi32, #tpu.memory_space<vmem>>) dst(%dma_wait3A_61 : memref<128x64xi32, #tpu.memory_space<hbm>>)
        tpu.yield
      }) : () -> ()
    }
    %scan3A_7 = arith.constant 12 : i32
    %add3A_8 = arith.constant 3072 : i32
    %add3A_9 = arith.addi %mul3A_2, %add3A_8 : i32
    %multiple_of3A = tpu.assume_multiple %add3A_9, 128 : i32
    "tpu.region"() ({
      %run_scoped3A = tpu.sem_alloc : memref<!tpu.dma_semaphore, #tpu.memory_space<semaphore_mem>>
      %dma_start3A_26 = arith.constant 0 : i32
      %dma_start3A_27 = tpu.memref_slice %arg7[%dma_start3A_26] : memref<256xi32, #tpu.memory_space<vmem>> -> memref<128xi32, #tpu.memory_space<vmem>>
      %dma_start3A_28 = tpu.memref_slice %arg3[%multiple_of3A] : memref<102400xi32, #tpu.memory_space<hbm>> -> memref<128xi32, #tpu.memory_space<hbm>>
      %dma_start3A_29 = arith.constant 0 : i32
      %dma_start3A_30 = tpu.memref_slice %arg7[%dma_start3A_29] : memref<256xi32, #tpu.memory_space<vmem>> -> memref<128xi32, #tpu.memory_space<vmem>>
      %dma_start3A_31 = tpu.memref_slice %arg3[%multiple_of3A] : memref<102400xi32, #tpu.memory_space<hbm>> -> memref<128xi32, #tpu.memory_space<hbm>>
      tpu.enqueue_dma source(%dma_start3A_31 : memref<128xi32, #tpu.memory_space<hbm>>) target(%dma_start3A_30 : memref<128xi32, #tpu.memory_space<vmem>>) target_semaphore(%run_scoped3A : memref<!tpu.dma_semaphore, #tpu.memory_space<semaphore_mem>>)
      %dma_wait3A_32 = arith.constant 0 : i32
      %dma_wait3A_33 = tpu.memref_slice %arg7[%dma_wait3A_32] : memref<256xi32, #tpu.memory_space<vmem>> -> memref<128xi32, #tpu.memory_space<vmem>>
      %dma_wait3A_34 = tpu.memref_slice %arg3[%multiple_of3A] : memref<102400xi32, #tpu.memory_space<hbm>> -> memref<128xi32, #tpu.memory_space<hbm>>
      %dma_wait3A_35 = arith.constant 0 : i32
      %dma_wait3A_36 = tpu.memref_slice %arg7[%dma_wait3A_35] : memref<256xi32, #tpu.memory_space<vmem>> -> memref<128xi32, #tpu.memory_space<vmem>>
      %dma_wait3A_37 = tpu.memref_slice %arg3[%multiple_of3A] : memref<102400xi32, #tpu.memory_space<hbm>> -> memref<128xi32, #tpu.memory_space<hbm>>
      tpu.wait_dma2 semaphore(%run_scoped3A : memref<!tpu.dma_semaphore, #tpu.memory_space<semaphore_mem>>) src(%dma_wait3A_37 : memref<128xi32, #tpu.memory_space<hbm>>) dst(%dma_wait3A_36 : memref<128xi32, #tpu.memory_space<vmem>>)
      tpu.yield
    }) : () -> ()
    %dma_start3A = arith.constant 0 : i32
    %dma_start3A_10 = tpu.memref_slice %arg7[%dma_start3A] : memref<256xi32, #tpu.memory_space<vmem>> -> memref<128xi32, #tpu.memory_space<vmem>>
    %dma_start3A_11 = arith.constant 0 : i32
    %dma_start3A_12 = arith.constant 0 : i32
    %dma_start3A_13 = tpu.memref_slice %arg2[%dma_start3A_11, %dma_start3A_12] : memref<1000000x64xi32, #tpu.memory_space<hbm>> -> memref<1000000x64xi32, #tpu.memory_space<hbm>>
    tpu.enqueue_indirect_dma source(%dma_start3A_13 : memref<1000000x64xi32, #tpu.memory_space<hbm>>) target(%arg8 : memref<128x64xi32, #tpu.memory_space<vmem>>) offsets(%dma_start3A_10 : memref<128xi32, #tpu.memory_space<vmem>>) semaphore(%arg10 : memref<!tpu.dma_semaphore, #tpu.memory_space<semaphore_mem>>)
    %dma_wait3A = arith.constant 0 : i32
    %dma_wait3A_14 = tpu.memref_slice %arg7[%dma_wait3A] : memref<256xi32, #tpu.memory_space<vmem>> -> memref<128xi32, #tpu.memory_space<vmem>>
    %dma_wait3A_15 = arith.constant 0 : i32
    %dma_wait3A_16 = arith.constant 0 : i32
    %dma_wait3A_17 = tpu.memref_slice %arg2[%dma_wait3A_15, %dma_wait3A_16] : memref<1000000x64xi32, #tpu.memory_space<hbm>> -> memref<1000000x64xi32, #tpu.memory_space<hbm>>
    tpu.wait_indirect_dma semaphore(%arg10 : memref<!tpu.dma_semaphore, #tpu.memory_space<semaphore_mem>>) src(%dma_wait3A_17 : memref<1000000x64xi32, #tpu.memory_space<hbm>>) dst(%arg8 : memref<128x64xi32, #tpu.memory_space<vmem>>)
    "tpu.region"() ({
      %run_scoped3A = tpu.sem_alloc : memref<!tpu.dma_semaphore, #tpu.memory_space<semaphore_mem>>
      %dma_start3A_26 = arith.constant 0 : i32
      %dma_start3A_27 = tpu.memref_slice %arg5[%multiple_of3A, %dma_start3A_26] : memref<102400x64xi32, #tpu.memory_space<hbm>> -> memref<128x64xi32, #tpu.memory_space<hbm>>
      %dma_start3A_28 = arith.constant 0 : i32
      %dma_start3A_29 = tpu.memref_slice %arg5[%multiple_of3A, %dma_start3A_28] : memref<102400x64xi32, #tpu.memory_space<hbm>> -> memref<128x64xi32, #tpu.memory_space<hbm>>
      tpu.enqueue_dma source(%arg8 : memref<128x64xi32, #tpu.memory_space<vmem>>) target(%dma_start3A_29 : memref<128x64xi32, #tpu.memory_space<hbm>>) target_semaphore(%run_scoped3A : memref<!tpu.dma_semaphore, #tpu.memory_space<semaphore_mem>>)
      %dma_wait3A_30 = arith.constant 0 : i32
      %dma_wait3A_31 = tpu.memref_slice %arg5[%multiple_of3A, %dma_wait3A_30] : memref<102400x64xi32, #tpu.memory_space<hbm>> -> memref<128x64xi32, #tpu.memory_space<hbm>>
      %dma_wait3A_32 = arith.constant 0 : i32
      %dma_wait3A_33 = tpu.memref_slice %arg5[%multiple_of3A, %dma_wait3A_32] : memref<102400x64xi32, #tpu.memory_space<hbm>> -> memref<128x64xi32, #tpu.memory_space<hbm>>
      tpu.wait_dma2 semaphore(%run_scoped3A : memref<!tpu.dma_semaphore, #tpu.memory_space<semaphore_mem>>) src(%arg8 : memref<128x64xi32, #tpu.memory_space<vmem>>) dst(%dma_wait3A_33 : memref<128x64xi32, #tpu.memory_space<hbm>>)
      tpu.yield
    }) : () -> ()
    %mul3A_18 = arith.constant 320 : i32
    %mul3A_19 = arith.muli %add3A, %mul3A_18 : i32
    %scan3A_20 = arith.constant 0 : i32
    %scan3A_21 = arith.constant 0 : i32
    %scan3A_22 = arith.constant 5 : i32
    %scan3A_23 = arith.addi %scan3A_21, %scan3A_22 : i32
    %scan3A_24 = arith.constant 1 : i32
    scf.for %scan3A_26 = %scan3A_21 to %scan3A_23 step %scan3A_24  : i32 {
      %mul3A_27 = arith.constant 64 : i32
      %mul3A_28 = arith.muli %scan3A_26, %mul3A_27 : i32
      %add3A_29 = arith.addi %mul3A_19, %mul3A_28 : i32
      %multiple_of3A_30 = tpu.assume_multiple %add3A_29, 64 : i32
      "tpu.region"() ({
        %run_scoped3A = tpu.sem_alloc : memref<!tpu.dma_semaphore, #tpu.memory_space<semaphore_mem>>
        %dma_start3A_47 = arith.constant 0 : i32
        %dma_start3A_48 = tpu.memref_slice %arg7[%dma_start3A_47] : memref<256xi32, #tpu.memory_space<vmem>> -> memref<64xi32, #tpu.memory_space<vmem>>
        %dma_start3A_49 = tpu.memref_slice %arg4[%multiple_of3A_30] : memref<10240xi32, #tpu.memory_space<hbm>> -> memref<64xi32, #tpu.memory_space<hbm>>
        %dma_start3A_50 = arith.constant 0 : i32
        %dma_start3A_51 = tpu.memref_slice %arg7[%dma_start3A_50] : memref<256xi32, #tpu.memory_space<vmem>> -> memref<64xi32, #tpu.memory_space<vmem>>
        %dma_start3A_52 = tpu.memref_slice %arg4[%multiple_of3A_30] : memref<10240xi32, #tpu.memory_space<hbm>> -> memref<64xi32, #tpu.memory_space<hbm>>
        tpu.enqueue_dma source(%dma_start3A_52 : memref<64xi32, #tpu.memory_space<hbm>>) target(%dma_start3A_51 : memref<64xi32, #tpu.memory_space<vmem>>) target_semaphore(%run_scoped3A : memref<!tpu.dma_semaphore, #tpu.memory_space<semaphore_mem>>)
        %dma_wait3A_53 = arith.constant 0 : i32
        %dma_wait3A_54 = tpu.memref_slice %arg7[%dma_wait3A_53] : memref<256xi32, #tpu.memory_space<vmem>> -> memref<64xi32, #tpu.memory_space<vmem>>
        %dma_wait3A_55 = tpu.memref_slice %arg4[%multiple_of3A_30] : memref<10240xi32, #tpu.memory_space<hbm>> -> memref<64xi32, #tpu.memory_space<hbm>>
        %dma_wait3A_56 = arith.constant 0 : i32
        %dma_wait3A_57 = tpu.memref_slice %arg7[%dma_wait3A_56] : memref<256xi32, #tpu.memory_space<vmem>> -> memref<64xi32, #tpu.memory_space<vmem>>
        %dma_wait3A_58 = tpu.memref_slice %arg4[%multiple_of3A_30] : memref<10240xi32, #tpu.memory_space<hbm>> -> memref<64xi32, #tpu.memory_space<hbm>>
        tpu.wait_dma2 semaphore(%run_scoped3A : memref<!tpu.dma_semaphore, #tpu.memory_space<semaphore_mem>>) src(%dma_wait3A_58 : memref<64xi32, #tpu.memory_space<hbm>>) dst(%dma_wait3A_57 : memref<64xi32, #tpu.memory_space<vmem>>)
        tpu.yield
      }) : () -> ()
      %dma_start3A_31 = arith.constant 0 : i32
      %dma_start3A_32 = arith.constant 0 : i32
      %dma_start3A_33 = tpu.memref_slice %arg8[%dma_start3A_31, %dma_start3A_32] : memref<128x64xi32, #tpu.memory_space<vmem>> -> memref<64x64xi32, #tpu.memory_space<vmem>>
      %dma_start3A_34 = arith.constant 0 : i32
      %dma_start3A_35 = tpu.memref_slice %arg7[%dma_start3A_34] : memref<256xi32, #tpu.memory_space<vmem>> -> memref<64xi32, #tpu.memory_space<vmem>>
      %dma_start3A_36 = arith.constant 0 : i32
      %dma_start3A_37 = arith.constant 0 : i32
      %dma_start3A_38 = tpu.memref_slice %arg2[%dma_start3A_36, %dma_start3A_37] : memref<1000000x64xi32, #tpu.memory_space<hbm>> -> memref<1000000x64xi32, #tpu.memory_space<hbm>>
      tpu.enqueue_indirect_dma source(%dma_start3A_38 : memref<1000000x64xi32, #tpu.memory_space<hbm>>) target(%dma_start3A_33 : memref<64x64xi32, #tpu.memory_space<vmem>>) offsets(%dma_start3A_35 : memref<64xi32, #tpu.memory_space<vmem>>) semaphore(%arg10 : memref<!tpu.dma_semaphore, #tpu.memory_space<semaphore_mem>>)
      %dma_wait3A_39 = arith.constant 0 : i32
      %dma_wait3A_40 = arith.constant 0 : i32
      %dma_wait3A_41 = tpu.memref_slice %arg8[%dma_wait3A_39, %dma_wait3A_40] : memref<128x64xi32, #tpu.memory_space<vmem>> -> memref<64x64xi32, #tpu.memory_space<vmem>>
      %dma_wait3A_42 = arith.constant 0 : i32
      %dma_wait3A_43 = tpu.memref_slice %arg7[%dma_wait3A_42] : memref<256xi32, #tpu.memory_space<vmem>> -> memref<64xi32, #tpu.memory_space<vmem>>
      %dma_wait3A_44 = arith.constant 0 : i32
      %dma_wait3A_45 = arith.constant 0 : i32
      %dma_wait3A_46 = tpu.memref_slice %arg2[%dma_wait3A_44, %dma_wait3A_45] : memref<1000000x64xi32, #tpu.memory_space<hbm>> -> memref<1000000x64xi32, #tpu.memory_space<hbm>>
      tpu.wait_indirect_dma semaphore(%arg10 : memref<!tpu.dma_semaphore, #tpu.memory_space<semaphore_mem>>) src(%dma_wait3A_46 : memref<1000000x64xi32, #tpu.memory_space<hbm>>) dst(%dma_wait3A_41 : memref<64x64xi32, #tpu.memory_space<vmem>>)
      "tpu.region"() ({
        %run_scoped3A = tpu.sem_alloc : memref<!tpu.dma_semaphore, #tpu.memory_space<semaphore_mem>>
        %dma_start3A_47 = arith.constant 0 : i32
        %dma_start3A_48 = arith.constant 0 : i32
        %dma_start3A_49 = tpu.memref_slice %arg8[%dma_start3A_47, %dma_start3A_48] : memref<128x64xi32, #tpu.memory_space<vmem>> -> memref<64x64xi32, #tpu.memory_space<vmem>>
        %dma_start3A_50 = arith.constant 0 : i32
        %dma_start3A_51 = tpu.memref_slice %arg6[%multiple_of3A_30, %dma_start3A_50] : memref<10240x64xi32, #tpu.memory_space<hbm>> -> memref<64x64xi32, #tpu.memory_space<hbm>>
        %dma_start3A_52 = arith.constant 0 : i32
        %dma_start3A_53 = tpu.memref_slice %arg6[%multiple_of3A_30, %dma_start3A_52] : memref<10240x64xi32, #tpu.memory_space<hbm>> -> memref<64x64xi32, #tpu.memory_space<hbm>>
        %dma_start3A_54 = arith.constant 0 : i32
        %dma_start3A_55 = arith.constant 0 : i32
        %dma_start3A_56 = tpu.memref_slice %arg8[%dma_start3A_54, %dma_start3A_55] : memref<128x64xi32, #tpu.memory_space<vmem>> -> memref<64x64xi32, #tpu.memory_space<vmem>>
        tpu.enqueue_dma source(%dma_start3A_56 : memref<64x64xi32, #tpu.memory_space<vmem>>) target(%dma_start3A_53 : memref<64x64xi32, #tpu.memory_space<hbm>>) target_semaphore(%run_scoped3A : memref<!tpu.dma_semaphore, #tpu.memory_space<semaphore_mem>>)
        %dma_wait3A_57 = arith.constant 0 : i32
        %dma_wait3A_58 = arith.constant 0 : i32
        %dma_wait3A_59 = tpu.memref_slice %arg8[%dma_wait3A_57, %dma_wait3A_58] : memref<128x64xi32, #tpu.memory_space<vmem>> -> memref<64x64xi32, #tpu.memory_space<vmem>>
        %dma_wait3A_60 = arith.constant 0 : i32
        %dma_wait3A_61 = tpu.memref_slice %arg6[%multiple_of3A_30, %dma_wait3A_60] : memref<10240x64xi32, #tpu.memory_space<hbm>> -> memref<64x64xi32, #tpu.memory_space<hbm>>
        %dma_wait3A_62 = arith.constant 0 : i32
        %dma_wait3A_63 = tpu.memref_slice %arg6[%multiple_of3A_30, %dma_wait3A_62] : memref<10240x64xi32, #tpu.memory_space<hbm>> -> memref<64x64xi32, #tpu.memory_space<hbm>>
        %dma_wait3A_64 = arith.constant 0 : i32
        %dma_wait3A_65 = arith.constant 0 : i32
        %dma_wait3A_66 = tpu.memref_slice %arg8[%dma_wait3A_64, %dma_wait3A_65] : memref<128x64xi32, #tpu.memory_space<vmem>> -> memref<64x64xi32, #tpu.memory_space<vmem>>
        tpu.wait_dma2 semaphore(%run_scoped3A : memref<!tpu.dma_semaphore, #tpu.memory_space<semaphore_mem>>) src(%dma_wait3A_66 : memref<64x64xi32, #tpu.memory_space<vmem>>) dst(%dma_wait3A_63 : memref<64x64xi32, #tpu.memory_space<hbm>>)
        tpu.yield
      }) : () -> ()
    }
    %scan3A_25 = arith.constant 5 : i32
    return
  }
}

module attributes {stable_mosaic.version = 14 : i64} {
  func.func @_tc_loss_body(%arg0: i32, %arg1: memref<6400x64xi32, #tpu.memory_space<vmem>>, %arg2: memref<640x64xi32, #tpu.memory_space<vmem>>, %arg3: memref<1x1xf32, #tpu.memory_space<vmem>>) attributes {dimension_semantics = [#tpu.dimension_semantics<arbitrary>], iteration_bounds = array<i64: 16>, scalar_prefetch = 0 : i64, scratch_operands = 0 : i64, tpu.core_type = #tpu.core_type<tc>, window_params = [{transform_indices = @transform_0, window_bounds = array<i64: 6400, 64>}, {transform_indices = @transform_1, window_bounds = array<i64: 640, 64>}, {pipeline_mode = #tpu.pipeline_mode<synchronous>, transform_indices = @transform_2, window_bounds = array<i64: 1, 1>}]} {
    %get3A = arith.constant 0 : index
    %get3A_0 = arith.constant 0 : index
    %get3A_1 = vector.load %arg1[%get3A, %get3A_0] : memref<6400x64xi32, #tpu.memory_space<vmem>>, vector<6400x64xi32>
    %shift_left3A = arith.constant 16 : i32
    %shift_left3A_2 = vector.broadcast %shift_left3A : i32 to vector<6400x64xi32>
    %shift_left3A_3 = arith.shli %get3A_1, %shift_left3A_2 : vector<6400x64xi32>
    %bitcast_convert_type3A = tpu.bitcast %shift_left3A_3 : vector<6400x64xi32> -> vector<6400x64xf32>
    %and3A = arith.constant -65536 : i32
    %and3A_4 = vector.broadcast %and3A : i32 to vector<6400x64xi32>
    %and3A_5 = arith.andi %get3A_1, %and3A_4 : vector<6400x64xi32>
    %bitcast_convert_type3A_6 = tpu.bitcast %and3A_5 : vector<6400x64xi32> -> vector<6400x64xf32>
    %convert_element_type3A = arith.truncf %bitcast_convert_type3A : vector<6400x64xf32> to vector<6400x64xbf16>
    %convert_element_type3A_7 = arith.truncf %bitcast_convert_type3A_6 : vector<6400x64xf32> to vector<6400x64xbf16>
    %get3A_8 = arith.constant 0 : index
    %get3A_9 = arith.constant 0 : index
    %get3A_10 = vector.load %arg2[%get3A_8, %get3A_9] : memref<640x64xi32, #tpu.memory_space<vmem>>, vector<640x64xi32>
    %and3A_11 = arith.constant -65536 : i32
    %and3A_12 = vector.broadcast %and3A_11 : i32 to vector<640x64xi32>
    %and3A_13 = arith.andi %get3A_10, %and3A_12 : vector<640x64xi32>
    %bitcast_convert_type3A_14 = tpu.bitcast %and3A_13 : vector<640x64xi32> -> vector<640x64xf32>
    %convert_element_type3A_15 = arith.truncf %bitcast_convert_type3A_14 : vector<640x64xf32> to vector<640x64xbf16>
    %iota3A = tpu.iota {dimensions = array<i32: 1>} : vector<64x128xi32>
    %broadcast_in_dim3A = arith.constant 0.000000e+00 : f32
    %broadcast_in_dim3A_16 = vector.broadcast %broadcast_in_dim3A : f32 to vector<6400x128xf32>
    %roll3A = arith.constant 6399 : i32
    %roll3A_17 = tpu.dynamic_rotate %convert_element_type3A_7 by %roll3A dim 0 : vector<6400x64xbf16>, i32 -> vector<6400x64xbf16>
    %mul3A = arith.mulf %convert_element_type3A, %roll3A_17 : vector<6400x64xbf16>
    %eq3A = arith.constant 0 : i32
    %eq3A_18 = vector.broadcast %eq3A : i32 to vector<64x128xi32>
    %eq3A_19 = arith.cmpi eq, %iota3A, %eq3A_18 : vector<64x128xi32>
    %jit3A = arith.constant -1.000000e+00 : f32
    %jit3A_20 = arith.constant 0.000000e+00 : f32
    %broadcast_in_dim3A_21 = vector.broadcast %jit3A : f32 to vector<64x128xf32>
    %broadcast_in_dim3A_22 = vector.broadcast %jit3A_20 : f32 to vector<64x128xf32>
    %select_n3A = arith.select %eq3A_19, %broadcast_in_dim3A_21, %broadcast_in_dim3A_22 : vector<64x128xi1>, vector<64x128xf32>
    %convert_element_type3A_23 = arith.truncf %select_n3A : vector<64x128xf32> to vector<64x128xbf16>
    %dot_general3A = arith.constant dense<0.000000e+00> : vector<6400x128xf32>
    %dot_general3A_24 = tpu.matmul %mul3A, %convert_element_type3A_23, %dot_general3A {dimension_numbers = #tpu.dot_dimension_numbers<[1], [0], [0], [1], [0, 0, 1, 1], [], []>, transpose_lhs_hint = false} : vector<6400x64xbf16>, vector<64x128xbf16>, vector<6400x128xf32> -> vector<6400x128xf32>
    %add3A = arith.addf %broadcast_in_dim3A_16, %dot_general3A_24 : vector<6400x128xf32>
    %roll3A_25 = arith.constant 6398 : i32
    %roll3A_26 = tpu.dynamic_rotate %convert_element_type3A_7 by %roll3A_25 dim 0 : vector<6400x64xbf16>, i32 -> vector<6400x64xbf16>
    %mul3A_27 = arith.mulf %convert_element_type3A, %roll3A_26 : vector<6400x64xbf16>
    %eq3A_28 = arith.constant 1 : i32
    %eq3A_29 = vector.broadcast %eq3A_28 : i32 to vector<64x128xi32>
    %eq3A_30 = arith.cmpi eq, %iota3A, %eq3A_29 : vector<64x128xi32>
    %jit3A_31 = arith.constant -1.000000e+00 : f32
    %jit3A_32 = arith.constant 0.000000e+00 : f32
    %broadcast_in_dim3A_33 = vector.broadcast %jit3A_31 : f32 to vector<64x128xf32>
    %broadcast_in_dim3A_34 = vector.broadcast %jit3A_32 : f32 to vector<64x128xf32>
    %select_n3A_35 = arith.select %eq3A_30, %broadcast_in_dim3A_33, %broadcast_in_dim3A_34 : vector<64x128xi1>, vector<64x128xf32>
    %convert_element_type3A_36 = arith.truncf %select_n3A_35 : vector<64x128xf32> to vector<64x128xbf16>
    %dot_general3A_37 = arith.constant dense<0.000000e+00> : vector<6400x128xf32>
    %dot_general3A_38 = tpu.matmul %mul3A_27, %convert_element_type3A_36, %dot_general3A_37 {dimension_numbers = #tpu.dot_dimension_numbers<[1], [0], [0], [1], [0, 0, 1, 1], [], []>, transpose_lhs_hint = false} : vector<6400x64xbf16>, vector<64x128xbf16>, vector<6400x128xf32> -> vector<6400x128xf32>
    %add3A_39 = arith.addf %add3A, %dot_general3A_38 : vector<6400x128xf32>
    %roll3A_40 = arith.constant 6397 : i32
    %roll3A_41 = tpu.dynamic_rotate %convert_element_type3A_7 by %roll3A_40 dim 0 : vector<6400x64xbf16>, i32 -> vector<6400x64xbf16>
    %mul3A_42 = arith.mulf %convert_element_type3A, %roll3A_41 : vector<6400x64xbf16>
    %eq3A_43 = arith.constant 2 : i32
    %eq3A_44 = vector.broadcast %eq3A_43 : i32 to vector<64x128xi32>
    %eq3A_45 = arith.cmpi eq, %iota3A, %eq3A_44 : vector<64x128xi32>
    %jit3A_46 = arith.constant -1.000000e+00 : f32
    %jit3A_47 = arith.constant 0.000000e+00 : f32
    %broadcast_in_dim3A_48 = vector.broadcast %jit3A_46 : f32 to vector<64x128xf32>
    %broadcast_in_dim3A_49 = vector.broadcast %jit3A_47 : f32 to vector<64x128xf32>
    %select_n3A_50 = arith.select %eq3A_45, %broadcast_in_dim3A_48, %broadcast_in_dim3A_49 : vector<64x128xi1>, vector<64x128xf32>
    %convert_element_type3A_51 = arith.truncf %select_n3A_50 : vector<64x128xf32> to vector<64x128xbf16>
    %dot_general3A_52 = arith.constant dense<0.000000e+00> : vector<6400x128xf32>
    %dot_general3A_53 = tpu.matmul %mul3A_42, %convert_element_type3A_51, %dot_general3A_52 {dimension_numbers = #tpu.dot_dimension_numbers<[1], [0], [0], [1], [0, 0, 1, 1], [], []>, transpose_lhs_hint = false} : vector<6400x64xbf16>, vector<64x128xbf16>, vector<6400x128xf32> -> vector<6400x128xf32>
    %add3A_54 = arith.addf %add3A_39, %dot_general3A_53 : vector<6400x128xf32>
    %roll3A_55 = arith.constant 6396 : i32
    %roll3A_56 = tpu.dynamic_rotate %convert_element_type3A_7 by %roll3A_55 dim 0 : vector<6400x64xbf16>, i32 -> vector<6400x64xbf16>
    %mul3A_57 = arith.mulf %convert_element_type3A, %roll3A_56 : vector<6400x64xbf16>
    %eq3A_58 = arith.constant 3 : i32
    %eq3A_59 = vector.broadcast %eq3A_58 : i32 to vector<64x128xi32>
    %eq3A_60 = arith.cmpi eq, %iota3A, %eq3A_59 : vector<64x128xi32>
    %jit3A_61 = arith.constant -1.000000e+00 : f32
    %jit3A_62 = arith.constant 0.000000e+00 : f32
    %broadcast_in_dim3A_63 = vector.broadcast %jit3A_61 : f32 to vector<64x128xf32>
    %broadcast_in_dim3A_64 = vector.broadcast %jit3A_62 : f32 to vector<64x128xf32>
    %select_n3A_65 = arith.select %eq3A_60, %broadcast_in_dim3A_63, %broadcast_in_dim3A_64 : vector<64x128xi1>, vector<64x128xf32>
    %convert_element_type3A_66 = arith.truncf %select_n3A_65 : vector<64x128xf32> to vector<64x128xbf16>
    %dot_general3A_67 = arith.constant dense<0.000000e+00> : vector<6400x128xf32>
    %dot_general3A_68 = tpu.matmul %mul3A_57, %convert_element_type3A_66, %dot_general3A_67 {dimension_numbers = #tpu.dot_dimension_numbers<[1], [0], [0], [1], [0, 0, 1, 1], [], []>, transpose_lhs_hint = false} : vector<6400x64xbf16>, vector<64x128xbf16>, vector<6400x128xf32> -> vector<6400x128xf32>
    %add3A_69 = arith.addf %add3A_54, %dot_general3A_68 : vector<6400x128xf32>
    %roll3A_70 = arith.constant 6395 : i32
    %roll3A_71 = tpu.dynamic_rotate %convert_element_type3A_7 by %roll3A_70 dim 0 : vector<6400x64xbf16>, i32 -> vector<6400x64xbf16>
    %mul3A_72 = arith.mulf %convert_element_type3A, %roll3A_71 : vector<6400x64xbf16>
    %eq3A_73 = arith.constant 4 : i32
    %eq3A_74 = vector.broadcast %eq3A_73 : i32 to vector<64x128xi32>
    %eq3A_75 = arith.cmpi eq, %iota3A, %eq3A_74 : vector<64x128xi32>
    %jit3A_76 = arith.constant -1.000000e+00 : f32
    %jit3A_77 = arith.constant 0.000000e+00 : f32
    %broadcast_in_dim3A_78 = vector.broadcast %jit3A_76 : f32 to vector<64x128xf32>
    %broadcast_in_dim3A_79 = vector.broadcast %jit3A_77 : f32 to vector<64x128xf32>
    %select_n3A_80 = arith.select %eq3A_75, %broadcast_in_dim3A_78, %broadcast_in_dim3A_79 : vector<64x128xi1>, vector<64x128xf32>
    %convert_element_type3A_81 = arith.truncf %select_n3A_80 : vector<64x128xf32> to vector<64x128xbf16>
    %dot_general3A_82 = arith.constant dense<0.000000e+00> : vector<6400x128xf32>
    %dot_general3A_83 = tpu.matmul %mul3A_72, %convert_element_type3A_81, %dot_general3A_82 {dimension_numbers = #tpu.dot_dimension_numbers<[1], [0], [0], [1], [0, 0, 1, 1], [], []>, transpose_lhs_hint = false} : vector<6400x64xbf16>, vector<64x128xbf16>, vector<6400x128xf32> -> vector<6400x128xf32>
    %add3A_84 = arith.addf %add3A_69, %dot_general3A_83 : vector<6400x128xf32>
    %roll3A_85 = arith.constant 6399 : i32
    %roll3A_86 = tpu.dynamic_rotate %convert_element_type3A by %roll3A_85 dim 0 : vector<6400x64xbf16>, i32 -> vector<6400x64xbf16>
    %mul3A_87 = arith.mulf %roll3A_86, %convert_element_type3A_7 : vector<6400x64xbf16>
    %eq3A_88 = arith.constant 5 : i32
    %eq3A_89 = vector.broadcast %eq3A_88 : i32 to vector<64x128xi32>
    %eq3A_90 = arith.cmpi eq, %iota3A, %eq3A_89 : vector<64x128xi32>
    %jit3A_91 = arith.constant -1.000000e+00 : f32
    %jit3A_92 = arith.constant 0.000000e+00 : f32
    %broadcast_in_dim3A_93 = vector.broadcast %jit3A_91 : f32 to vector<64x128xf32>
    %broadcast_in_dim3A_94 = vector.broadcast %jit3A_92 : f32 to vector<64x128xf32>
    %select_n3A_95 = arith.select %eq3A_90, %broadcast_in_dim3A_93, %broadcast_in_dim3A_94 : vector<64x128xi1>, vector<64x128xf32>
    %convert_element_type3A_96 = arith.truncf %select_n3A_95 : vector<64x128xf32> to vector<64x128xbf16>
    %dot_general3A_97 = arith.constant dense<0.000000e+00> : vector<6400x128xf32>
    %dot_general3A_98 = tpu.matmul %mul3A_87, %convert_element_type3A_96, %dot_general3A_97 {dimension_numbers = #tpu.dot_dimension_numbers<[1], [0], [0], [1], [0, 0, 1, 1], [], []>, transpose_lhs_hint = false} : vector<6400x64xbf16>, vector<64x128xbf16>, vector<6400x128xf32> -> vector<6400x128xf32>
    %add3A_99 = arith.addf %add3A_84, %dot_general3A_98 : vector<6400x128xf32>
    %roll3A_100 = arith.constant 6398 : i32
    %roll3A_101 = tpu.dynamic_rotate %convert_element_type3A by %roll3A_100 dim 0 : vector<6400x64xbf16>, i32 -> vector<6400x64xbf16>
    %mul3A_102 = arith.mulf %roll3A_101, %convert_element_type3A_7 : vector<6400x64xbf16>
    %eq3A_103 = arith.constant 6 : i32
    %eq3A_104 = vector.broadcast %eq3A_103 : i32 to vector<64x128xi32>
    %eq3A_105 = arith.cmpi eq, %iota3A, %eq3A_104 : vector<64x128xi32>
    %jit3A_106 = arith.constant -1.000000e+00 : f32
    %jit3A_107 = arith.constant 0.000000e+00 : f32
    %broadcast_in_dim3A_108 = vector.broadcast %jit3A_106 : f32 to vector<64x128xf32>
    %broadcast_in_dim3A_109 = vector.broadcast %jit3A_107 : f32 to vector<64x128xf32>
    %select_n3A_110 = arith.select %eq3A_105, %broadcast_in_dim3A_108, %broadcast_in_dim3A_109 : vector<64x128xi1>, vector<64x128xf32>
    %convert_element_type3A_111 = arith.truncf %select_n3A_110 : vector<64x128xf32> to vector<64x128xbf16>
    %dot_general3A_112 = arith.constant dense<0.000000e+00> : vector<6400x128xf32>
    %dot_general3A_113 = tpu.matmul %mul3A_102, %convert_element_type3A_111, %dot_general3A_112 {dimension_numbers = #tpu.dot_dimension_numbers<[1], [0], [0], [1], [0, 0, 1, 1], [], []>, transpose_lhs_hint = false} : vector<6400x64xbf16>, vector<64x128xbf16>, vector<6400x128xf32> -> vector<6400x128xf32>
    %add3A_114 = arith.addf %add3A_99, %dot_general3A_113 : vector<6400x128xf32>
    %roll3A_115 = arith.constant 6397 : i32
    %roll3A_116 = tpu.dynamic_rotate %convert_element_type3A by %roll3A_115 dim 0 : vector<6400x64xbf16>, i32 -> vector<6400x64xbf16>
    %mul3A_117 = arith.mulf %roll3A_116, %convert_element_type3A_7 : vector<6400x64xbf16>
    %eq3A_118 = arith.constant 7 : i32
    %eq3A_119 = vector.broadcast %eq3A_118 : i32 to vector<64x128xi32>
    %eq3A_120 = arith.cmpi eq, %iota3A, %eq3A_119 : vector<64x128xi32>
    %jit3A_121 = arith.constant -1.000000e+00 : f32
    %jit3A_122 = arith.constant 0.000000e+00 : f32
    %broadcast_in_dim3A_123 = vector.broadcast %jit3A_121 : f32 to vector<64x128xf32>
    %broadcast_in_dim3A_124 = vector.broadcast %jit3A_122 : f32 to vector<64x128xf32>
    %select_n3A_125 = arith.select %eq3A_120, %broadcast_in_dim3A_123, %broadcast_in_dim3A_124 : vector<64x128xi1>, vector<64x128xf32>
    %convert_element_type3A_126 = arith.truncf %select_n3A_125 : vector<64x128xf32> to vector<64x128xbf16>
    %dot_general3A_127 = arith.constant dense<0.000000e+00> : vector<6400x128xf32>
    %dot_general3A_128 = tpu.matmul %mul3A_117, %convert_element_type3A_126, %dot_general3A_127 {dimension_numbers = #tpu.dot_dimension_numbers<[1], [0], [0], [1], [0, 0, 1, 1], [], []>, transpose_lhs_hint = false} : vector<6400x64xbf16>, vector<64x128xbf16>, vector<6400x128xf32> -> vector<6400x128xf32>
    %add3A_129 = arith.addf %add3A_114, %dot_general3A_128 : vector<6400x128xf32>
    %roll3A_130 = arith.constant 6396 : i32
    %roll3A_131 = tpu.dynamic_rotate %convert_element_type3A by %roll3A_130 dim 0 : vector<6400x64xbf16>, i32 -> vector<6400x64xbf16>
    %mul3A_132 = arith.mulf %roll3A_131, %convert_element_type3A_7 : vector<6400x64xbf16>
    %eq3A_133 = arith.constant 8 : i32
    %eq3A_134 = vector.broadcast %eq3A_133 : i32 to vector<64x128xi32>
    %eq3A_135 = arith.cmpi eq, %iota3A, %eq3A_134 : vector<64x128xi32>
    %jit3A_136 = arith.constant -1.000000e+00 : f32
    %jit3A_137 = arith.constant 0.000000e+00 : f32
    %broadcast_in_dim3A_138 = vector.broadcast %jit3A_136 : f32 to vector<64x128xf32>
    %broadcast_in_dim3A_139 = vector.broadcast %jit3A_137 : f32 to vector<64x128xf32>
    %select_n3A_140 = arith.select %eq3A_135, %broadcast_in_dim3A_138, %broadcast_in_dim3A_139 : vector<64x128xi1>, vector<64x128xf32>
    %convert_element_type3A_141 = arith.truncf %select_n3A_140 : vector<64x128xf32> to vector<64x128xbf16>
    %dot_general3A_142 = arith.constant dense<0.000000e+00> : vector<6400x128xf32>
    %dot_general3A_143 = tpu.matmul %mul3A_132, %convert_element_type3A_141, %dot_general3A_142 {dimension_numbers = #tpu.dot_dimension_numbers<[1], [0], [0], [1], [0, 0, 1, 1], [], []>, transpose_lhs_hint = false} : vector<6400x64xbf16>, vector<64x128xbf16>, vector<6400x128xf32> -> vector<6400x128xf32>
    %add3A_144 = arith.addf %add3A_129, %dot_general3A_143 : vector<6400x128xf32>
    %roll3A_145 = arith.constant 6395 : i32
    %roll3A_146 = tpu.dynamic_rotate %convert_element_type3A by %roll3A_145 dim 0 : vector<6400x64xbf16>, i32 -> vector<6400x64xbf16>
    %mul3A_147 = arith.mulf %roll3A_146, %convert_element_type3A_7 : vector<6400x64xbf16>
    %eq3A_148 = arith.constant 9 : i32
    %eq3A_149 = vector.broadcast %eq3A_148 : i32 to vector<64x128xi32>
    %eq3A_150 = arith.cmpi eq, %iota3A, %eq3A_149 : vector<64x128xi32>
    %jit3A_151 = arith.constant -1.000000e+00 : f32
    %jit3A_152 = arith.constant 0.000000e+00 : f32
    %broadcast_in_dim3A_153 = vector.broadcast %jit3A_151 : f32 to vector<64x128xf32>
    %broadcast_in_dim3A_154 = vector.broadcast %jit3A_152 : f32 to vector<64x128xf32>
    %select_n3A_155 = arith.select %eq3A_150, %broadcast_in_dim3A_153, %broadcast_in_dim3A_154 : vector<64x128xi1>, vector<64x128xf32>
    %convert_element_type3A_156 = arith.truncf %select_n3A_155 : vector<64x128xf32> to vector<64x128xbf16>
    %dot_general3A_157 = arith.constant dense<0.000000e+00> : vector<6400x128xf32>
    %dot_general3A_158 = tpu.matmul %mul3A_147, %convert_element_type3A_156, %dot_general3A_157 {dimension_numbers = #tpu.dot_dimension_numbers<[1], [0], [0], [1], [0, 0, 1, 1], [], []>, transpose_lhs_hint = false} : vector<6400x64xbf16>, vector<64x128xbf16>, vector<6400x128xf32> -> vector<6400x128xf32>
    %add3A_159 = arith.addf %add3A_144, %dot_general3A_158 : vector<6400x128xf32>
    %max3A = arith.constant 0.000000e+00 : f32
    %max3A_160 = vector.broadcast %max3A : f32 to vector<6400x128xf32>
    %max3A_161 = arith.maximumf %add3A_159, %max3A_160 : vector<6400x128xf32>
    %abs3A = math.absf %add3A_159 : vector<6400x128xf32>
    %neg3A = arith.constant 0.000000e+00 : f32
    %neg3A_162 = vector.broadcast %neg3A : f32 to vector<6400x128xf32>
    %neg3A_163 = arith.subf %neg3A_162, %abs3A : vector<6400x128xf32>
    %exp3A = math.exp %neg3A_163 : vector<6400x128xf32>
    %add3A_164 = arith.constant 1.000000e+00 : f32
    %add3A_165 = vector.broadcast %add3A_164 : f32 to vector<6400x128xf32>
    %add3A_166 = arith.addf %add3A_165, %exp3A : vector<6400x128xf32>
    %log3A = math.log %add3A_166 : vector<6400x128xf32>
    %add3A_167 = arith.addf %max3A_161, %log3A : vector<6400x128xf32>
    %min3A = arith.constant 1.000000e+02 : f32
    %min3A_168 = vector.broadcast %min3A : f32 to vector<6400x128xf32>
    %min3A_169 = arith.minimumf %add3A_167, %min3A_168 : vector<6400x128xf32>
    %iota3A_170 = tpu.iota {dimensions = array<i32: 0>} : vector<6400x128xi32>
    %jit3A_171 = arith.constant 50 : i32
    %eq3A_172 = arith.constant 0 : i32
    %eq3A_173 = arith.cmpi eq, %jit3A_171, %eq3A_172 : i32
    %jit3A_174 = arith.constant 1 : i32
    %select_n3A_175 = arith.select %eq3A_173, %jit3A_174, %jit3A_171 : i32
    %rem3A = vector.broadcast %select_n3A_175 : i32 to vector<6400x128xi32>
    %rem3A_176 = arith.remsi %iota3A_170, %rem3A : vector<6400x128xi32>
    %ne3A = arith.constant 0 : i32
    %ne3A_177 = vector.broadcast %ne3A : i32 to vector<6400x128xi32>
    %ne3A_178 = arith.cmpi ne, %rem3A_176, %ne3A_177 : vector<6400x128xi32>
    %lt3A = arith.constant 0 : i32
    %lt3A_179 = vector.broadcast %lt3A : i32 to vector<6400x128xi32>
    %lt3A_180 = arith.cmpi slt, %rem3A_176, %lt3A_179 : vector<6400x128xi32>
    %lt3A_181 = arith.constant 0 : i32
    %lt3A_182 = arith.cmpi slt, %select_n3A_175, %lt3A_181 : i32
    %ne3A_183 = vector.broadcast %lt3A_182 : i1 to vector<6400x128xi1>
    %ne3A_184 = vector.broadcast %ne3A_183 : vector<6400x128xi1> to vector<6400x128xi1>
    %ne3A_185 = arith.xori %lt3A_180, %ne3A_184 : vector<6400x128xi1>
    %and3A_186 = arith.andi %ne3A_185, %ne3A_178 : vector<6400x128xi1>
    %add3A_187 = vector.broadcast %select_n3A_175 : i32 to vector<6400x128xi32>
    %add3A_188 = arith.addi %rem3A_176, %add3A_187 : vector<6400x128xi32>
    %select_n3A_189 = arith.select %and3A_186, %add3A_188, %rem3A_176 : vector<6400x128xi1>, vector<6400x128xi32>
    %iota3A_190 = tpu.iota {dimensions = array<i32: 1>} : vector<6400x128xi32>
    %lt3A_191 = arith.constant 5 : i32
    %lt3A_192 = vector.broadcast %lt3A_191 : i32 to vector<6400x128xi32>
    %lt3A_193 = arith.cmpi slt, %iota3A_190, %lt3A_192 : vector<6400x128xi32>
    %add3A_194 = arith.constant 1 : i32
    %add3A_195 = vector.broadcast %add3A_194 : i32 to vector<6400x128xi32>
    %add3A_196 = arith.addi %iota3A_190, %add3A_195 : vector<6400x128xi32>
    %sub3A = arith.constant 4 : i32
    %sub3A_197 = vector.broadcast %sub3A : i32 to vector<6400x128xi32>
    %sub3A_198 = arith.subi %iota3A_190, %sub3A_197 : vector<6400x128xi32>
    %select_n3A_199 = arith.select %lt3A_193, %add3A_196, %sub3A_198 : vector<6400x128xi1>, vector<6400x128xi32>
    %lt3A_200 = arith.constant 10 : i32
    %lt3A_201 = vector.broadcast %lt3A_200 : i32 to vector<6400x128xi32>
    %lt3A_202 = arith.cmpi slt, %iota3A_190, %lt3A_201 : vector<6400x128xi32>
    %sub3A_203 = arith.constant 50 : i32
    %sub3A_204 = vector.broadcast %sub3A_203 : i32 to vector<6400x128xi32>
    %sub3A_205 = arith.subi %sub3A_204, %select_n3A_199 : vector<6400x128xi32>
    %jit3A_206 = arith.constant 0 : i32
    %broadcast_in_dim3A_207 = vector.broadcast %jit3A_206 : i32 to vector<6400x128xi32>
    %select_n3A_208 = arith.select %lt3A_202, %sub3A_205, %broadcast_in_dim3A_207 : vector<6400x128xi1>, vector<6400x128xi32>
    %lt3A_209 = arith.cmpi slt, %select_n3A_189, %select_n3A_208 : vector<6400x128xi32>
    %jit3A_210 = arith.constant 9.76562475E-8 : f32
    %jit3A_211 = arith.constant 0.000000e+00 : f32
    %broadcast_in_dim3A_212 = vector.broadcast %jit3A_210 : f32 to vector<6400x128xf32>
    %broadcast_in_dim3A_213 = vector.broadcast %jit3A_211 : f32 to vector<6400x128xf32>
    %select_n3A_214 = arith.select %lt3A_209, %broadcast_in_dim3A_212, %broadcast_in_dim3A_213 : vector<6400x128xi1>, vector<6400x128xf32>
    %mul3A_215 = arith.mulf %min3A_169, %select_n3A_214 : vector<6400x128xf32>
    %reduce_sum3A = vector.shape_cast %mul3A_215 : vector<6400x128xf32> to vector<1x6400x128xf32>
    %reduce_sum3A_216 = arith.constant dense<0.000000e+00> : vector<1xf32>
    %reduce_sum3A_217 = vector.multi_reduction <add>, %reduce_sum3A, %reduce_sum3A_216 [1, 2] : vector<1x6400x128xf32> to vector<1xf32>
    %reduce_sum3A_218 = vector.shape_cast %reduce_sum3A_217 : vector<1xf32> to vector<1x1x1xf32>
    %reduce_sum3A_219 = vector.extract %reduce_sum3A_218[0, 0, 0] : f32 from vector<1x1x1xf32>
    %slice3A = vector.extract_strided_slice %convert_element_type3A {offsets = [0, 0], sizes = [800, 64], strides = [1, 1]} : vector<6400x64xbf16> to vector<800x64xbf16>
    %slice3A_220 = vector.extract_strided_slice %convert_element_type3A_15 {offsets = [0, 0], sizes = [80, 64], strides = [1, 1]} : vector<640x64xbf16> to vector<80x64xbf16>
    %dot_general3A_221 = arith.constant dense<0.000000e+00> : vector<800x80xf32>
    %dot_general3A_222 = tpu.matmul %slice3A, %slice3A_220, %dot_general3A_221 {dimension_numbers = #tpu.dot_dimension_numbers<[1], [1], [0], [0], [0, 0, 1, 0], [], []>, transpose_lhs_hint = false} : vector<800x64xbf16>, vector<80x64xbf16>, vector<800x80xf32> -> vector<800x80xf32>
    %iota3A_223 = tpu.iota {dimensions = array<i32: 0>} : vector<800x80xi32>
    %jit3A_224 = arith.constant 50 : i32
    %div3A = vector.broadcast %jit3A_224 : i32 to vector<800x80xi32>
    %div3A_225 = arith.divsi %iota3A_223, %div3A : vector<800x80xi32>
    %sign3A = arith.constant 0 : i32
    %sign3A_226 = vector.broadcast %sign3A : i32 to vector<800x80xi32>
    %sign3A_227 = arith.cmpi sgt, %iota3A_223, %sign3A_226 : vector<800x80xi32>
    %sign3A_228 = arith.extui %sign3A_227 : vector<800x80xi1> to vector<800x80xi32>
    %sign3A_229 = arith.constant 0 : i32
    %sign3A_230 = vector.broadcast %sign3A_229 : i32 to vector<800x80xi32>
    %sign3A_231 = arith.cmpi slt, %iota3A_223, %sign3A_230 : vector<800x80xi32>
    %sign3A_232 = arith.extui %sign3A_231 : vector<800x80xi1> to vector<800x80xi32>
    %sign3A_233 = arith.subi %sign3A_228, %sign3A_232 : vector<800x80xi32>
    %sign3A_234 = arith.constant 0 : i32
    %sign3A_235 = arith.cmpi sgt, %jit3A_224, %sign3A_234 : i32
    %sign3A_236 = arith.extui %sign3A_235 : i1 to i32
    %sign3A_237 = arith.constant 0 : i32
    %sign3A_238 = arith.cmpi slt, %jit3A_224, %sign3A_237 : i32
    %sign3A_239 = arith.extui %sign3A_238 : i1 to i32
    %sign3A_240 = arith.subi %sign3A_236, %sign3A_239 : i32
    %ne3A_241 = vector.broadcast %sign3A_240 : i32 to vector<800x80xi32>
    %ne3A_242 = arith.cmpi ne, %sign3A_233, %ne3A_241 : vector<800x80xi32>
    %rem3A_243 = vector.broadcast %jit3A_224 : i32 to vector<800x80xi32>
    %rem3A_244 = arith.remsi %iota3A_223, %rem3A_243 : vector<800x80xi32>
    %ne3A_245 = arith.constant 0 : i32
    %ne3A_246 = vector.broadcast %ne3A_245 : i32 to vector<800x80xi32>
    %ne3A_247 = arith.cmpi ne, %rem3A_244, %ne3A_246 : vector<800x80xi32>
    %and3A_248 = arith.andi %ne3A_242, %ne3A_247 : vector<800x80xi1>
    %sub3A_249 = arith.constant 1 : i32
    %sub3A_250 = vector.broadcast %sub3A_249 : i32 to vector<800x80xi32>
    %sub3A_251 = arith.subi %div3A_225, %sub3A_250 : vector<800x80xi32>
    %select_n3A_252 = arith.select %and3A_248, %sub3A_251, %div3A_225 : vector<800x80xi1>, vector<800x80xi32>
    %iota3A_253 = tpu.iota {dimensions = array<i32: 1>} : vector<800x80xi32>
    %jit3A_254 = arith.constant 5 : i32
    %div3A_255 = vector.broadcast %jit3A_254 : i32 to vector<800x80xi32>
    %div3A_256 = arith.divsi %iota3A_253, %div3A_255 : vector<800x80xi32>
    %sign3A_257 = arith.constant 0 : i32
    %sign3A_258 = vector.broadcast %sign3A_257 : i32 to vector<800x80xi32>
    %sign3A_259 = arith.cmpi sgt, %iota3A_253, %sign3A_258 : vector<800x80xi32>
    %sign3A_260 = arith.extui %sign3A_259 : vector<800x80xi1> to vector<800x80xi32>
    %sign3A_261 = arith.constant 0 : i32
    %sign3A_262 = vector.broadcast %sign3A_261 : i32 to vector<800x80xi32>
    %sign3A_263 = arith.cmpi slt, %iota3A_253, %sign3A_262 : vector<800x80xi32>
    %sign3A_264 = arith.extui %sign3A_263 : vector<800x80xi1> to vector<800x80xi32>
    %sign3A_265 = arith.subi %sign3A_260, %sign3A_264 : vector<800x80xi32>
    %sign3A_266 = arith.constant 0 : i32
    %sign3A_267 = arith.cmpi sgt, %jit3A_254, %sign3A_266 : i32
    %sign3A_268 = arith.extui %sign3A_267 : i1 to i32
    %sign3A_269 = arith.constant 0 : i32
    %sign3A_270 = arith.cmpi slt, %jit3A_254, %sign3A_269 : i32
    %sign3A_271 = arith.extui %sign3A_270 : i1 to i32
    %sign3A_272 = arith.subi %sign3A_268, %sign3A_271 : i32
    %ne3A_273 = vector.broadcast %sign3A_272 : i32 to vector<800x80xi32>
    %ne3A_274 = arith.cmpi ne, %sign3A_265, %ne3A_273 : vector<800x80xi32>
    %rem3A_275 = vector.broadcast %jit3A_254 : i32 to vector<800x80xi32>
    %rem3A_276 = arith.remsi %iota3A_253, %rem3A_275 : vector<800x80xi32>
    %ne3A_277 = arith.constant 0 : i32
    %ne3A_278 = vector.broadcast %ne3A_277 : i32 to vector<800x80xi32>
    %ne3A_279 = arith.cmpi ne, %rem3A_276, %ne3A_278 : vector<800x80xi32>
    %and3A_280 = arith.andi %ne3A_274, %ne3A_279 : vector<800x80xi1>
    %sub3A_281 = arith.constant 1 : i32
    %sub3A_282 = vector.broadcast %sub3A_281 : i32 to vector<800x80xi32>
    %sub3A_283 = arith.subi %div3A_256, %sub3A_282 : vector<800x80xi32>
    %select_n3A_284 = arith.select %and3A_280, %sub3A_283, %div3A_256 : vector<800x80xi1>, vector<800x80xi32>
    %eq3A_285 = arith.cmpi eq, %select_n3A_252, %select_n3A_284 : vector<800x80xi32>
    %jit3A_286 = arith.constant 9.76562546E-7 : f32
    %jit3A_287 = arith.constant 0.000000e+00 : f32
    %broadcast_in_dim3A_288 = vector.broadcast %jit3A_286 : f32 to vector<800x80xf32>
    %broadcast_in_dim3A_289 = vector.broadcast %jit3A_287 : f32 to vector<800x80xf32>
    %select_n3A_290 = arith.select %eq3A_285, %broadcast_in_dim3A_288, %broadcast_in_dim3A_289 : vector<800x80xi1>, vector<800x80xf32>
    %max3A_291 = arith.constant 0.000000e+00 : f32
    %max3A_292 = vector.broadcast %max3A_291 : f32 to vector<800x80xf32>
    %max3A_293 = arith.maximumf %dot_general3A_222, %max3A_292 : vector<800x80xf32>
    %abs3A_294 = math.absf %dot_general3A_222 : vector<800x80xf32>
    %neg3A_295 = arith.constant 0.000000e+00 : f32
    %neg3A_296 = vector.broadcast %neg3A_295 : f32 to vector<800x80xf32>
    %neg3A_297 = arith.subf %neg3A_296, %abs3A_294 : vector<800x80xf32>
    %exp3A_298 = math.exp %neg3A_297 : vector<800x80xf32>
    %add3A_299 = arith.constant 1.000000e+00 : f32
    %add3A_300 = vector.broadcast %add3A_299 : f32 to vector<800x80xf32>
    %add3A_301 = arith.addf %add3A_300, %exp3A_298 : vector<800x80xf32>
    %log3A_302 = math.log %add3A_301 : vector<800x80xf32>
    %add3A_303 = arith.addf %max3A_293, %log3A_302 : vector<800x80xf32>
    %mul3A_304 = arith.mulf %add3A_303, %select_n3A_290 : vector<800x80xf32>
    %reduce_sum3A_305 = vector.shape_cast %mul3A_304 : vector<800x80xf32> to vector<1x800x80xf32>
    %reduce_sum3A_306 = arith.constant dense<0.000000e+00> : vector<1xf32>
    %reduce_sum3A_307 = vector.multi_reduction <add>, %reduce_sum3A_305, %reduce_sum3A_306 [1, 2] : vector<1x800x80xf32> to vector<1xf32>
    %reduce_sum3A_308 = vector.shape_cast %reduce_sum3A_307 : vector<1xf32> to vector<1x1x1xf32>
    %reduce_sum3A_309 = vector.extract %reduce_sum3A_308[0, 0, 0] : f32 from vector<1x1x1xf32>
    %add3A_310 = arith.addf %reduce_sum3A_219, %reduce_sum3A_309 : f32
    %slice3A_311 = vector.extract_strided_slice %convert_element_type3A {offsets = [800, 0], sizes = [800, 64], strides = [1, 1]} : vector<6400x64xbf16> to vector<800x64xbf16>
    %slice3A_312 = vector.extract_strided_slice %convert_element_type3A_15 {offsets = [80, 0], sizes = [80, 64], strides = [1, 1]} : vector<640x64xbf16> to vector<80x64xbf16>
    %dot_general3A_313 = arith.constant dense<0.000000e+00> : vector<800x80xf32>
    %dot_general3A_314 = tpu.matmul %slice3A_311, %slice3A_312, %dot_general3A_313 {dimension_numbers = #tpu.dot_dimension_numbers<[1], [1], [0], [0], [0, 0, 1, 0], [], []>, transpose_lhs_hint = false} : vector<800x64xbf16>, vector<80x64xbf16>, vector<800x80xf32> -> vector<800x80xf32>
    %iota3A_315 = tpu.iota {dimensions = array<i32: 0>} : vector<800x80xi32>
    %jit3A_316 = arith.constant 50 : i32
    %div3A_317 = vector.broadcast %jit3A_316 : i32 to vector<800x80xi32>
    %div3A_318 = arith.divsi %iota3A_315, %div3A_317 : vector<800x80xi32>
    %sign3A_319 = arith.constant 0 : i32
    %sign3A_320 = vector.broadcast %sign3A_319 : i32 to vector<800x80xi32>
    %sign3A_321 = arith.cmpi sgt, %iota3A_315, %sign3A_320 : vector<800x80xi32>
    %sign3A_322 = arith.extui %sign3A_321 : vector<800x80xi1> to vector<800x80xi32>
    %sign3A_323 = arith.constant 0 : i32
    %sign3A_324 = vector.broadcast %sign3A_323 : i32 to vector<800x80xi32>
    %sign3A_325 = arith.cmpi slt, %iota3A_315, %sign3A_324 : vector<800x80xi32>
    %sign3A_326 = arith.extui %sign3A_325 : vector<800x80xi1> to vector<800x80xi32>
    %sign3A_327 = arith.subi %sign3A_322, %sign3A_326 : vector<800x80xi32>
    %sign3A_328 = arith.constant 0 : i32
    %sign3A_329 = arith.cmpi sgt, %jit3A_316, %sign3A_328 : i32
    %sign3A_330 = arith.extui %sign3A_329 : i1 to i32
    %sign3A_331 = arith.constant 0 : i32
    %sign3A_332 = arith.cmpi slt, %jit3A_316, %sign3A_331 : i32
    %sign3A_333 = arith.extui %sign3A_332 : i1 to i32
    %sign3A_334 = arith.subi %sign3A_330, %sign3A_333 : i32
    %ne3A_335 = vector.broadcast %sign3A_334 : i32 to vector<800x80xi32>
    %ne3A_336 = arith.cmpi ne, %sign3A_327, %ne3A_335 : vector<800x80xi32>
    %rem3A_337 = vector.broadcast %jit3A_316 : i32 to vector<800x80xi32>
    %rem3A_338 = arith.remsi %iota3A_315, %rem3A_337 : vector<800x80xi32>
    %ne3A_339 = arith.constant 0 : i32
    %ne3A_340 = vector.broadcast %ne3A_339 : i32 to vector<800x80xi32>
    %ne3A_341 = arith.cmpi ne, %rem3A_338, %ne3A_340 : vector<800x80xi32>
    %and3A_342 = arith.andi %ne3A_336, %ne3A_341 : vector<800x80xi1>
    %sub3A_343 = arith.constant 1 : i32
    %sub3A_344 = vector.broadcast %sub3A_343 : i32 to vector<800x80xi32>
    %sub3A_345 = arith.subi %div3A_318, %sub3A_344 : vector<800x80xi32>
    %select_n3A_346 = arith.select %and3A_342, %sub3A_345, %div3A_318 : vector<800x80xi1>, vector<800x80xi32>
    %iota3A_347 = tpu.iota {dimensions = array<i32: 1>} : vector<800x80xi32>
    %jit3A_348 = arith.constant 5 : i32
    %div3A_349 = vector.broadcast %jit3A_348 : i32 to vector<800x80xi32>
    %div3A_350 = arith.divsi %iota3A_347, %div3A_349 : vector<800x80xi32>
    %sign3A_351 = arith.constant 0 : i32
    %sign3A_352 = vector.broadcast %sign3A_351 : i32 to vector<800x80xi32>
    %sign3A_353 = arith.cmpi sgt, %iota3A_347, %sign3A_352 : vector<800x80xi32>
    %sign3A_354 = arith.extui %sign3A_353 : vector<800x80xi1> to vector<800x80xi32>
    %sign3A_355 = arith.constant 0 : i32
    %sign3A_356 = vector.broadcast %sign3A_355 : i32 to vector<800x80xi32>
    %sign3A_357 = arith.cmpi slt, %iota3A_347, %sign3A_356 : vector<800x80xi32>
    %sign3A_358 = arith.extui %sign3A_357 : vector<800x80xi1> to vector<800x80xi32>
    %sign3A_359 = arith.subi %sign3A_354, %sign3A_358 : vector<800x80xi32>
    %sign3A_360 = arith.constant 0 : i32
    %sign3A_361 = arith.cmpi sgt, %jit3A_348, %sign3A_360 : i32
    %sign3A_362 = arith.extui %sign3A_361 : i1 to i32
    %sign3A_363 = arith.constant 0 : i32
    %sign3A_364 = arith.cmpi slt, %jit3A_348, %sign3A_363 : i32
    %sign3A_365 = arith.extui %sign3A_364 : i1 to i32
    %sign3A_366 = arith.subi %sign3A_362, %sign3A_365 : i32
    %ne3A_367 = vector.broadcast %sign3A_366 : i32 to vector<800x80xi32>
    %ne3A_368 = arith.cmpi ne, %sign3A_359, %ne3A_367 : vector<800x80xi32>
    %rem3A_369 = vector.broadcast %jit3A_348 : i32 to vector<800x80xi32>
    %rem3A_370 = arith.remsi %iota3A_347, %rem3A_369 : vector<800x80xi32>
    %ne3A_371 = arith.constant 0 : i32
    %ne3A_372 = vector.broadcast %ne3A_371 : i32 to vector<800x80xi32>
    %ne3A_373 = arith.cmpi ne, %rem3A_370, %ne3A_372 : vector<800x80xi32>
    %and3A_374 = arith.andi %ne3A_368, %ne3A_373 : vector<800x80xi1>
    %sub3A_375 = arith.constant 1 : i32
    %sub3A_376 = vector.broadcast %sub3A_375 : i32 to vector<800x80xi32>
    %sub3A_377 = arith.subi %div3A_350, %sub3A_376 : vector<800x80xi32>
    %select_n3A_378 = arith.select %and3A_374, %sub3A_377, %div3A_350 : vector<800x80xi1>, vector<800x80xi32>
    %eq3A_379 = arith.cmpi eq, %select_n3A_346, %select_n3A_378 : vector<800x80xi32>
    %jit3A_380 = arith.constant 9.76562546E-7 : f32
    %jit3A_381 = arith.constant 0.000000e+00 : f32
    %broadcast_in_dim3A_382 = vector.broadcast %jit3A_380 : f32 to vector<800x80xf32>
    %broadcast_in_dim3A_383 = vector.broadcast %jit3A_381 : f32 to vector<800x80xf32>
    %select_n3A_384 = arith.select %eq3A_379, %broadcast_in_dim3A_382, %broadcast_in_dim3A_383 : vector<800x80xi1>, vector<800x80xf32>
    %max3A_385 = arith.constant 0.000000e+00 : f32
    %max3A_386 = vector.broadcast %max3A_385 : f32 to vector<800x80xf32>
    %max3A_387 = arith.maximumf %dot_general3A_314, %max3A_386 : vector<800x80xf32>
    %abs3A_388 = math.absf %dot_general3A_314 : vector<800x80xf32>
    %neg3A_389 = arith.constant 0.000000e+00 : f32
    %neg3A_390 = vector.broadcast %neg3A_389 : f32 to vector<800x80xf32>
    %neg3A_391 = arith.subf %neg3A_390, %abs3A_388 : vector<800x80xf32>
    %exp3A_392 = math.exp %neg3A_391 : vector<800x80xf32>
    %add3A_393 = arith.constant 1.000000e+00 : f32
    %add3A_394 = vector.broadcast %add3A_393 : f32 to vector<800x80xf32>
    %add3A_395 = arith.addf %add3A_394, %exp3A_392 : vector<800x80xf32>
    %log3A_396 = math.log %add3A_395 : vector<800x80xf32>
    %add3A_397 = arith.addf %max3A_387, %log3A_396 : vector<800x80xf32>
    %mul3A_398 = arith.mulf %add3A_397, %select_n3A_384 : vector<800x80xf32>
    %reduce_sum3A_399 = vector.shape_cast %mul3A_398 : vector<800x80xf32> to vector<1x800x80xf32>
    %reduce_sum3A_400 = arith.constant dense<0.000000e+00> : vector<1xf32>
    %reduce_sum3A_401 = vector.multi_reduction <add>, %reduce_sum3A_399, %reduce_sum3A_400 [1, 2] : vector<1x800x80xf32> to vector<1xf32>
    %reduce_sum3A_402 = vector.shape_cast %reduce_sum3A_401 : vector<1xf32> to vector<1x1x1xf32>
    %reduce_sum3A_403 = vector.extract %reduce_sum3A_402[0, 0, 0] : f32 from vector<1x1x1xf32>
    %add3A_404 = arith.addf %add3A_310, %reduce_sum3A_403 : f32
    %slice3A_405 = vector.extract_strided_slice %convert_element_type3A {offsets = [1600, 0], sizes = [800, 64], strides = [1, 1]} : vector<6400x64xbf16> to vector<800x64xbf16>
    %slice3A_406 = vector.extract_strided_slice %convert_element_type3A_15 {offsets = [160, 0], sizes = [80, 64], strides = [1, 1]} : vector<640x64xbf16> to vector<80x64xbf16>
    %dot_general3A_407 = arith.constant dense<0.000000e+00> : vector<800x80xf32>
    %dot_general3A_408 = tpu.matmul %slice3A_405, %slice3A_406, %dot_general3A_407 {dimension_numbers = #tpu.dot_dimension_numbers<[1], [1], [0], [0], [0, 0, 1, 0], [], []>, transpose_lhs_hint = false} : vector<800x64xbf16>, vector<80x64xbf16>, vector<800x80xf32> -> vector<800x80xf32>
    %iota3A_409 = tpu.iota {dimensions = array<i32: 0>} : vector<800x80xi32>
    %jit3A_410 = arith.constant 50 : i32
    %div3A_411 = vector.broadcast %jit3A_410 : i32 to vector<800x80xi32>
    %div3A_412 = arith.divsi %iota3A_409, %div3A_411 : vector<800x80xi32>
    %sign3A_413 = arith.constant 0 : i32
    %sign3A_414 = vector.broadcast %sign3A_413 : i32 to vector<800x80xi32>
    %sign3A_415 = arith.cmpi sgt, %iota3A_409, %sign3A_414 : vector<800x80xi32>
    %sign3A_416 = arith.extui %sign3A_415 : vector<800x80xi1> to vector<800x80xi32>
    %sign3A_417 = arith.constant 0 : i32
    %sign3A_418 = vector.broadcast %sign3A_417 : i32 to vector<800x80xi32>
    %sign3A_419 = arith.cmpi slt, %iota3A_409, %sign3A_418 : vector<800x80xi32>
    %sign3A_420 = arith.extui %sign3A_419 : vector<800x80xi1> to vector<800x80xi32>
    %sign3A_421 = arith.subi %sign3A_416, %sign3A_420 : vector<800x80xi32>
    %sign3A_422 = arith.constant 0 : i32
    %sign3A_423 = arith.cmpi sgt, %jit3A_410, %sign3A_422 : i32
    %sign3A_424 = arith.extui %sign3A_423 : i1 to i32
    %sign3A_425 = arith.constant 0 : i32
    %sign3A_426 = arith.cmpi slt, %jit3A_410, %sign3A_425 : i32
    %sign3A_427 = arith.extui %sign3A_426 : i1 to i32
    %sign3A_428 = arith.subi %sign3A_424, %sign3A_427 : i32
    %ne3A_429 = vector.broadcast %sign3A_428 : i32 to vector<800x80xi32>
    %ne3A_430 = arith.cmpi ne, %sign3A_421, %ne3A_429 : vector<800x80xi32>
    %rem3A_431 = vector.broadcast %jit3A_410 : i32 to vector<800x80xi32>
    %rem3A_432 = arith.remsi %iota3A_409, %rem3A_431 : vector<800x80xi32>
    %ne3A_433 = arith.constant 0 : i32
    %ne3A_434 = vector.broadcast %ne3A_433 : i32 to vector<800x80xi32>
    %ne3A_435 = arith.cmpi ne, %rem3A_432, %ne3A_434 : vector<800x80xi32>
    %and3A_436 = arith.andi %ne3A_430, %ne3A_435 : vector<800x80xi1>
    %sub3A_437 = arith.constant 1 : i32
    %sub3A_438 = vector.broadcast %sub3A_437 : i32 to vector<800x80xi32>
    %sub3A_439 = arith.subi %div3A_412, %sub3A_438 : vector<800x80xi32>
    %select_n3A_440 = arith.select %and3A_436, %sub3A_439, %div3A_412 : vector<800x80xi1>, vector<800x80xi32>
    %iota3A_441 = tpu.iota {dimensions = array<i32: 1>} : vector<800x80xi32>
    %jit3A_442 = arith.constant 5 : i32
    %div3A_443 = vector.broadcast %jit3A_442 : i32 to vector<800x80xi32>
    %div3A_444 = arith.divsi %iota3A_441, %div3A_443 : vector<800x80xi32>
    %sign3A_445 = arith.constant 0 : i32
    %sign3A_446 = vector.broadcast %sign3A_445 : i32 to vector<800x80xi32>
    %sign3A_447 = arith.cmpi sgt, %iota3A_441, %sign3A_446 : vector<800x80xi32>
    %sign3A_448 = arith.extui %sign3A_447 : vector<800x80xi1> to vector<800x80xi32>
    %sign3A_449 = arith.constant 0 : i32
    %sign3A_450 = vector.broadcast %sign3A_449 : i32 to vector<800x80xi32>
    %sign3A_451 = arith.cmpi slt, %iota3A_441, %sign3A_450 : vector<800x80xi32>
    %sign3A_452 = arith.extui %sign3A_451 : vector<800x80xi1> to vector<800x80xi32>
    %sign3A_453 = arith.subi %sign3A_448, %sign3A_452 : vector<800x80xi32>
    %sign3A_454 = arith.constant 0 : i32
    %sign3A_455 = arith.cmpi sgt, %jit3A_442, %sign3A_454 : i32
    %sign3A_456 = arith.extui %sign3A_455 : i1 to i32
    %sign3A_457 = arith.constant 0 : i32
    %sign3A_458 = arith.cmpi slt, %jit3A_442, %sign3A_457 : i32
    %sign3A_459 = arith.extui %sign3A_458 : i1 to i32
    %sign3A_460 = arith.subi %sign3A_456, %sign3A_459 : i32
    %ne3A_461 = vector.broadcast %sign3A_460 : i32 to vector<800x80xi32>
    %ne3A_462 = arith.cmpi ne, %sign3A_453, %ne3A_461 : vector<800x80xi32>
    %rem3A_463 = vector.broadcast %jit3A_442 : i32 to vector<800x80xi32>
    %rem3A_464 = arith.remsi %iota3A_441, %rem3A_463 : vector<800x80xi32>
    %ne3A_465 = arith.constant 0 : i32
    %ne3A_466 = vector.broadcast %ne3A_465 : i32 to vector<800x80xi32>
    %ne3A_467 = arith.cmpi ne, %rem3A_464, %ne3A_466 : vector<800x80xi32>
    %and3A_468 = arith.andi %ne3A_462, %ne3A_467 : vector<800x80xi1>
    %sub3A_469 = arith.constant 1 : i32
    %sub3A_470 = vector.broadcast %sub3A_469 : i32 to vector<800x80xi32>
    %sub3A_471 = arith.subi %div3A_444, %sub3A_470 : vector<800x80xi32>
    %select_n3A_472 = arith.select %and3A_468, %sub3A_471, %div3A_444 : vector<800x80xi1>, vector<800x80xi32>
    %eq3A_473 = arith.cmpi eq, %select_n3A_440, %select_n3A_472 : vector<800x80xi32>
    %jit3A_474 = arith.constant 9.76562546E-7 : f32
    %jit3A_475 = arith.constant 0.000000e+00 : f32
    %broadcast_in_dim3A_476 = vector.broadcast %jit3A_474 : f32 to vector<800x80xf32>
    %broadcast_in_dim3A_477 = vector.broadcast %jit3A_475 : f32 to vector<800x80xf32>
    %select_n3A_478 = arith.select %eq3A_473, %broadcast_in_dim3A_476, %broadcast_in_dim3A_477 : vector<800x80xi1>, vector<800x80xf32>
    %max3A_479 = arith.constant 0.000000e+00 : f32
    %max3A_480 = vector.broadcast %max3A_479 : f32 to vector<800x80xf32>
    %max3A_481 = arith.maximumf %dot_general3A_408, %max3A_480 : vector<800x80xf32>
    %abs3A_482 = math.absf %dot_general3A_408 : vector<800x80xf32>
    %neg3A_483 = arith.constant 0.000000e+00 : f32
    %neg3A_484 = vector.broadcast %neg3A_483 : f32 to vector<800x80xf32>
    %neg3A_485 = arith.subf %neg3A_484, %abs3A_482 : vector<800x80xf32>
    %exp3A_486 = math.exp %neg3A_485 : vector<800x80xf32>
    %add3A_487 = arith.constant 1.000000e+00 : f32
    %add3A_488 = vector.broadcast %add3A_487 : f32 to vector<800x80xf32>
    %add3A_489 = arith.addf %add3A_488, %exp3A_486 : vector<800x80xf32>
    %log3A_490 = math.log %add3A_489 : vector<800x80xf32>
    %add3A_491 = arith.addf %max3A_481, %log3A_490 : vector<800x80xf32>
    %mul3A_492 = arith.mulf %add3A_491, %select_n3A_478 : vector<800x80xf32>
    %reduce_sum3A_493 = vector.shape_cast %mul3A_492 : vector<800x80xf32> to vector<1x800x80xf32>
    %reduce_sum3A_494 = arith.constant dense<0.000000e+00> : vector<1xf32>
    %reduce_sum3A_495 = vector.multi_reduction <add>, %reduce_sum3A_493, %reduce_sum3A_494 [1, 2] : vector<1x800x80xf32> to vector<1xf32>
    %reduce_sum3A_496 = vector.shape_cast %reduce_sum3A_495 : vector<1xf32> to vector<1x1x1xf32>
    %reduce_sum3A_497 = vector.extract %reduce_sum3A_496[0, 0, 0] : f32 from vector<1x1x1xf32>
    %add3A_498 = arith.addf %add3A_404, %reduce_sum3A_497 : f32
    %slice3A_499 = vector.extract_strided_slice %convert_element_type3A {offsets = [2400, 0], sizes = [800, 64], strides = [1, 1]} : vector<6400x64xbf16> to vector<800x64xbf16>
    %slice3A_500 = vector.extract_strided_slice %convert_element_type3A_15 {offsets = [240, 0], sizes = [80, 64], strides = [1, 1]} : vector<640x64xbf16> to vector<80x64xbf16>
    %dot_general3A_501 = arith.constant dense<0.000000e+00> : vector<800x80xf32>
    %dot_general3A_502 = tpu.matmul %slice3A_499, %slice3A_500, %dot_general3A_501 {dimension_numbers = #tpu.dot_dimension_numbers<[1], [1], [0], [0], [0, 0, 1, 0], [], []>, transpose_lhs_hint = false} : vector<800x64xbf16>, vector<80x64xbf16>, vector<800x80xf32> -> vector<800x80xf32>
    %iota3A_503 = tpu.iota {dimensions = array<i32: 0>} : vector<800x80xi32>
    %jit3A_504 = arith.constant 50 : i32
    %div3A_505 = vector.broadcast %jit3A_504 : i32 to vector<800x80xi32>
    %div3A_506 = arith.divsi %iota3A_503, %div3A_505 : vector<800x80xi32>
    %sign3A_507 = arith.constant 0 : i32
    %sign3A_508 = vector.broadcast %sign3A_507 : i32 to vector<800x80xi32>
    %sign3A_509 = arith.cmpi sgt, %iota3A_503, %sign3A_508 : vector<800x80xi32>
    %sign3A_510 = arith.extui %sign3A_509 : vector<800x80xi1> to vector<800x80xi32>
    %sign3A_511 = arith.constant 0 : i32
    %sign3A_512 = vector.broadcast %sign3A_511 : i32 to vector<800x80xi32>
    %sign3A_513 = arith.cmpi slt, %iota3A_503, %sign3A_512 : vector<800x80xi32>
    %sign3A_514 = arith.extui %sign3A_513 : vector<800x80xi1> to vector<800x80xi32>
    %sign3A_515 = arith.subi %sign3A_510, %sign3A_514 : vector<800x80xi32>
    %sign3A_516 = arith.constant 0 : i32
    %sign3A_517 = arith.cmpi sgt, %jit3A_504, %sign3A_516 : i32
    %sign3A_518 = arith.extui %sign3A_517 : i1 to i32
    %sign3A_519 = arith.constant 0 : i32
    %sign3A_520 = arith.cmpi slt, %jit3A_504, %sign3A_519 : i32
    %sign3A_521 = arith.extui %sign3A_520 : i1 to i32
    %sign3A_522 = arith.subi %sign3A_518, %sign3A_521 : i32
    %ne3A_523 = vector.broadcast %sign3A_522 : i32 to vector<800x80xi32>
    %ne3A_524 = arith.cmpi ne, %sign3A_515, %ne3A_523 : vector<800x80xi32>
    %rem3A_525 = vector.broadcast %jit3A_504 : i32 to vector<800x80xi32>
    %rem3A_526 = arith.remsi %iota3A_503, %rem3A_525 : vector<800x80xi32>
    %ne3A_527 = arith.constant 0 : i32
    %ne3A_528 = vector.broadcast %ne3A_527 : i32 to vector<800x80xi32>
    %ne3A_529 = arith.cmpi ne, %rem3A_526, %ne3A_528 : vector<800x80xi32>
    %and3A_530 = arith.andi %ne3A_524, %ne3A_529 : vector<800x80xi1>
    %sub3A_531 = arith.constant 1 : i32
    %sub3A_532 = vector.broadcast %sub3A_531 : i32 to vector<800x80xi32>
    %sub3A_533 = arith.subi %div3A_506, %sub3A_532 : vector<800x80xi32>
    %select_n3A_534 = arith.select %and3A_530, %sub3A_533, %div3A_506 : vector<800x80xi1>, vector<800x80xi32>
    %iota3A_535 = tpu.iota {dimensions = array<i32: 1>} : vector<800x80xi32>
    %jit3A_536 = arith.constant 5 : i32
    %div3A_537 = vector.broadcast %jit3A_536 : i32 to vector<800x80xi32>
    %div3A_538 = arith.divsi %iota3A_535, %div3A_537 : vector<800x80xi32>
    %sign3A_539 = arith.constant 0 : i32
    %sign3A_540 = vector.broadcast %sign3A_539 : i32 to vector<800x80xi32>
    %sign3A_541 = arith.cmpi sgt, %iota3A_535, %sign3A_540 : vector<800x80xi32>
    %sign3A_542 = arith.extui %sign3A_541 : vector<800x80xi1> to vector<800x80xi32>
    %sign3A_543 = arith.constant 0 : i32
    %sign3A_544 = vector.broadcast %sign3A_543 : i32 to vector<800x80xi32>
    %sign3A_545 = arith.cmpi slt, %iota3A_535, %sign3A_544 : vector<800x80xi32>
    %sign3A_546 = arith.extui %sign3A_545 : vector<800x80xi1> to vector<800x80xi32>
    %sign3A_547 = arith.subi %sign3A_542, %sign3A_546 : vector<800x80xi32>
    %sign3A_548 = arith.constant 0 : i32
    %sign3A_549 = arith.cmpi sgt, %jit3A_536, %sign3A_548 : i32
    %sign3A_550 = arith.extui %sign3A_549 : i1 to i32
    %sign3A_551 = arith.constant 0 : i32
    %sign3A_552 = arith.cmpi slt, %jit3A_536, %sign3A_551 : i32
    %sign3A_553 = arith.extui %sign3A_552 : i1 to i32
    %sign3A_554 = arith.subi %sign3A_550, %sign3A_553 : i32
    %ne3A_555 = vector.broadcast %sign3A_554 : i32 to vector<800x80xi32>
    %ne3A_556 = arith.cmpi ne, %sign3A_547, %ne3A_555 : vector<800x80xi32>
    %rem3A_557 = vector.broadcast %jit3A_536 : i32 to vector<800x80xi32>
    %rem3A_558 = arith.remsi %iota3A_535, %rem3A_557 : vector<800x80xi32>
    %ne3A_559 = arith.constant 0 : i32
    %ne3A_560 = vector.broadcast %ne3A_559 : i32 to vector<800x80xi32>
    %ne3A_561 = arith.cmpi ne, %rem3A_558, %ne3A_560 : vector<800x80xi32>
    %and3A_562 = arith.andi %ne3A_556, %ne3A_561 : vector<800x80xi1>
    %sub3A_563 = arith.constant 1 : i32
    %sub3A_564 = vector.broadcast %sub3A_563 : i32 to vector<800x80xi32>
    %sub3A_565 = arith.subi %div3A_538, %sub3A_564 : vector<800x80xi32>
    %select_n3A_566 = arith.select %and3A_562, %sub3A_565, %div3A_538 : vector<800x80xi1>, vector<800x80xi32>
    %eq3A_567 = arith.cmpi eq, %select_n3A_534, %select_n3A_566 : vector<800x80xi32>
    %jit3A_568 = arith.constant 9.76562546E-7 : f32
    %jit3A_569 = arith.constant 0.000000e+00 : f32
    %broadcast_in_dim3A_570 = vector.broadcast %jit3A_568 : f32 to vector<800x80xf32>
    %broadcast_in_dim3A_571 = vector.broadcast %jit3A_569 : f32 to vector<800x80xf32>
    %select_n3A_572 = arith.select %eq3A_567, %broadcast_in_dim3A_570, %broadcast_in_dim3A_571 : vector<800x80xi1>, vector<800x80xf32>
    %max3A_573 = arith.constant 0.000000e+00 : f32
    %max3A_574 = vector.broadcast %max3A_573 : f32 to vector<800x80xf32>
    %max3A_575 = arith.maximumf %dot_general3A_502, %max3A_574 : vector<800x80xf32>
    %abs3A_576 = math.absf %dot_general3A_502 : vector<800x80xf32>
    %neg3A_577 = arith.constant 0.000000e+00 : f32
    %neg3A_578 = vector.broadcast %neg3A_577 : f32 to vector<800x80xf32>
    %neg3A_579 = arith.subf %neg3A_578, %abs3A_576 : vector<800x80xf32>
    %exp3A_580 = math.exp %neg3A_579 : vector<800x80xf32>
    %add3A_581 = arith.constant 1.000000e+00 : f32
    %add3A_582 = vector.broadcast %add3A_581 : f32 to vector<800x80xf32>
    %add3A_583 = arith.addf %add3A_582, %exp3A_580 : vector<800x80xf32>
    %log3A_584 = math.log %add3A_583 : vector<800x80xf32>
    %add3A_585 = arith.addf %max3A_575, %log3A_584 : vector<800x80xf32>
    %mul3A_586 = arith.mulf %add3A_585, %select_n3A_572 : vector<800x80xf32>
    %reduce_sum3A_587 = vector.shape_cast %mul3A_586 : vector<800x80xf32> to vector<1x800x80xf32>
    %reduce_sum3A_588 = arith.constant dense<0.000000e+00> : vector<1xf32>
    %reduce_sum3A_589 = vector.multi_reduction <add>, %reduce_sum3A_587, %reduce_sum3A_588 [1, 2] : vector<1x800x80xf32> to vector<1xf32>
    %reduce_sum3A_590 = vector.shape_cast %reduce_sum3A_589 : vector<1xf32> to vector<1x1x1xf32>
    %reduce_sum3A_591 = vector.extract %reduce_sum3A_590[0, 0, 0] : f32 from vector<1x1x1xf32>
    %add3A_592 = arith.addf %add3A_498, %reduce_sum3A_591 : f32
    %slice3A_593 = vector.extract_strided_slice %convert_element_type3A {offsets = [3200, 0], sizes = [800, 64], strides = [1, 1]} : vector<6400x64xbf16> to vector<800x64xbf16>
    %slice3A_594 = vector.extract_strided_slice %convert_element_type3A_15 {offsets = [320, 0], sizes = [80, 64], strides = [1, 1]} : vector<640x64xbf16> to vector<80x64xbf16>
    %dot_general3A_595 = arith.constant dense<0.000000e+00> : vector<800x80xf32>
    %dot_general3A_596 = tpu.matmul %slice3A_593, %slice3A_594, %dot_general3A_595 {dimension_numbers = #tpu.dot_dimension_numbers<[1], [1], [0], [0], [0, 0, 1, 0], [], []>, transpose_lhs_hint = false} : vector<800x64xbf16>, vector<80x64xbf16>, vector<800x80xf32> -> vector<800x80xf32>
    %iota3A_597 = tpu.iota {dimensions = array<i32: 0>} : vector<800x80xi32>
    %jit3A_598 = arith.constant 50 : i32
    %div3A_599 = vector.broadcast %jit3A_598 : i32 to vector<800x80xi32>
    %div3A_600 = arith.divsi %iota3A_597, %div3A_599 : vector<800x80xi32>
    %sign3A_601 = arith.constant 0 : i32
    %sign3A_602 = vector.broadcast %sign3A_601 : i32 to vector<800x80xi32>
    %sign3A_603 = arith.cmpi sgt, %iota3A_597, %sign3A_602 : vector<800x80xi32>
    %sign3A_604 = arith.extui %sign3A_603 : vector<800x80xi1> to vector<800x80xi32>
    %sign3A_605 = arith.constant 0 : i32
    %sign3A_606 = vector.broadcast %sign3A_605 : i32 to vector<800x80xi32>
    %sign3A_607 = arith.cmpi slt, %iota3A_597, %sign3A_606 : vector<800x80xi32>
    %sign3A_608 = arith.extui %sign3A_607 : vector<800x80xi1> to vector<800x80xi32>
    %sign3A_609 = arith.subi %sign3A_604, %sign3A_608 : vector<800x80xi32>
    %sign3A_610 = arith.constant 0 : i32
    %sign3A_611 = arith.cmpi sgt, %jit3A_598, %sign3A_610 : i32
    %sign3A_612 = arith.extui %sign3A_611 : i1 to i32
    %sign3A_613 = arith.constant 0 : i32
    %sign3A_614 = arith.cmpi slt, %jit3A_598, %sign3A_613 : i32
    %sign3A_615 = arith.extui %sign3A_614 : i1 to i32
    %sign3A_616 = arith.subi %sign3A_612, %sign3A_615 : i32
    %ne3A_617 = vector.broadcast %sign3A_616 : i32 to vector<800x80xi32>
    %ne3A_618 = arith.cmpi ne, %sign3A_609, %ne3A_617 : vector<800x80xi32>
    %rem3A_619 = vector.broadcast %jit3A_598 : i32 to vector<800x80xi32>
    %rem3A_620 = arith.remsi %iota3A_597, %rem3A_619 : vector<800x80xi32>
    %ne3A_621 = arith.constant 0 : i32
    %ne3A_622 = vector.broadcast %ne3A_621 : i32 to vector<800x80xi32>
    %ne3A_623 = arith.cmpi ne, %rem3A_620, %ne3A_622 : vector<800x80xi32>
    %and3A_624 = arith.andi %ne3A_618, %ne3A_623 : vector<800x80xi1>
    %sub3A_625 = arith.constant 1 : i32
    %sub3A_626 = vector.broadcast %sub3A_625 : i32 to vector<800x80xi32>
    %sub3A_627 = arith.subi %div3A_600, %sub3A_626 : vector<800x80xi32>
    %select_n3A_628 = arith.select %and3A_624, %sub3A_627, %div3A_600 : vector<800x80xi1>, vector<800x80xi32>
    %iota3A_629 = tpu.iota {dimensions = array<i32: 1>} : vector<800x80xi32>
    %jit3A_630 = arith.constant 5 : i32
    %div3A_631 = vector.broadcast %jit3A_630 : i32 to vector<800x80xi32>
    %div3A_632 = arith.divsi %iota3A_629, %div3A_631 : vector<800x80xi32>
    %sign3A_633 = arith.constant 0 : i32
    %sign3A_634 = vector.broadcast %sign3A_633 : i32 to vector<800x80xi32>
    %sign3A_635 = arith.cmpi sgt, %iota3A_629, %sign3A_634 : vector<800x80xi32>
    %sign3A_636 = arith.extui %sign3A_635 : vector<800x80xi1> to vector<800x80xi32>
    %sign3A_637 = arith.constant 0 : i32
    %sign3A_638 = vector.broadcast %sign3A_637 : i32 to vector<800x80xi32>
    %sign3A_639 = arith.cmpi slt, %iota3A_629, %sign3A_638 : vector<800x80xi32>
    %sign3A_640 = arith.extui %sign3A_639 : vector<800x80xi1> to vector<800x80xi32>
    %sign3A_641 = arith.subi %sign3A_636, %sign3A_640 : vector<800x80xi32>
    %sign3A_642 = arith.constant 0 : i32
    %sign3A_643 = arith.cmpi sgt, %jit3A_630, %sign3A_642 : i32
    %sign3A_644 = arith.extui %sign3A_643 : i1 to i32
    %sign3A_645 = arith.constant 0 : i32
    %sign3A_646 = arith.cmpi slt, %jit3A_630, %sign3A_645 : i32
    %sign3A_647 = arith.extui %sign3A_646 : i1 to i32
    %sign3A_648 = arith.subi %sign3A_644, %sign3A_647 : i32
    %ne3A_649 = vector.broadcast %sign3A_648 : i32 to vector<800x80xi32>
    %ne3A_650 = arith.cmpi ne, %sign3A_641, %ne3A_649 : vector<800x80xi32>
    %rem3A_651 = vector.broadcast %jit3A_630 : i32 to vector<800x80xi32>
    %rem3A_652 = arith.remsi %iota3A_629, %rem3A_651 : vector<800x80xi32>
    %ne3A_653 = arith.constant 0 : i32
    %ne3A_654 = vector.broadcast %ne3A_653 : i32 to vector<800x80xi32>
    %ne3A_655 = arith.cmpi ne, %rem3A_652, %ne3A_654 : vector<800x80xi32>
    %and3A_656 = arith.andi %ne3A_650, %ne3A_655 : vector<800x80xi1>
    %sub3A_657 = arith.constant 1 : i32
    %sub3A_658 = vector.broadcast %sub3A_657 : i32 to vector<800x80xi32>
    %sub3A_659 = arith.subi %div3A_632, %sub3A_658 : vector<800x80xi32>
    %select_n3A_660 = arith.select %and3A_656, %sub3A_659, %div3A_632 : vector<800x80xi1>, vector<800x80xi32>
    %eq3A_661 = arith.cmpi eq, %select_n3A_628, %select_n3A_660 : vector<800x80xi32>
    %jit3A_662 = arith.constant 9.76562546E-7 : f32
    %jit3A_663 = arith.constant 0.000000e+00 : f32
    %broadcast_in_dim3A_664 = vector.broadcast %jit3A_662 : f32 to vector<800x80xf32>
    %broadcast_in_dim3A_665 = vector.broadcast %jit3A_663 : f32 to vector<800x80xf32>
    %select_n3A_666 = arith.select %eq3A_661, %broadcast_in_dim3A_664, %broadcast_in_dim3A_665 : vector<800x80xi1>, vector<800x80xf32>
    %max3A_667 = arith.constant 0.000000e+00 : f32
    %max3A_668 = vector.broadcast %max3A_667 : f32 to vector<800x80xf32>
    %max3A_669 = arith.maximumf %dot_general3A_596, %max3A_668 : vector<800x80xf32>
    %abs3A_670 = math.absf %dot_general3A_596 : vector<800x80xf32>
    %neg3A_671 = arith.constant 0.000000e+00 : f32
    %neg3A_672 = vector.broadcast %neg3A_671 : f32 to vector<800x80xf32>
    %neg3A_673 = arith.subf %neg3A_672, %abs3A_670 : vector<800x80xf32>
    %exp3A_674 = math.exp %neg3A_673 : vector<800x80xf32>
    %add3A_675 = arith.constant 1.000000e+00 : f32
    %add3A_676 = vector.broadcast %add3A_675 : f32 to vector<800x80xf32>
    %add3A_677 = arith.addf %add3A_676, %exp3A_674 : vector<800x80xf32>
    %log3A_678 = math.log %add3A_677 : vector<800x80xf32>
    %add3A_679 = arith.addf %max3A_669, %log3A_678 : vector<800x80xf32>
    %mul3A_680 = arith.mulf %add3A_679, %select_n3A_666 : vector<800x80xf32>
    %reduce_sum3A_681 = vector.shape_cast %mul3A_680 : vector<800x80xf32> to vector<1x800x80xf32>
    %reduce_sum3A_682 = arith.constant dense<0.000000e+00> : vector<1xf32>
    %reduce_sum3A_683 = vector.multi_reduction <add>, %reduce_sum3A_681, %reduce_sum3A_682 [1, 2] : vector<1x800x80xf32> to vector<1xf32>
    %reduce_sum3A_684 = vector.shape_cast %reduce_sum3A_683 : vector<1xf32> to vector<1x1x1xf32>
    %reduce_sum3A_685 = vector.extract %reduce_sum3A_684[0, 0, 0] : f32 from vector<1x1x1xf32>
    %add3A_686 = arith.addf %add3A_592, %reduce_sum3A_685 : f32
    %slice3A_687 = vector.extract_strided_slice %convert_element_type3A {offsets = [4000, 0], sizes = [800, 64], strides = [1, 1]} : vector<6400x64xbf16> to vector<800x64xbf16>
    %slice3A_688 = vector.extract_strided_slice %convert_element_type3A_15 {offsets = [400, 0], sizes = [80, 64], strides = [1, 1]} : vector<640x64xbf16> to vector<80x64xbf16>
    %dot_general3A_689 = arith.constant dense<0.000000e+00> : vector<800x80xf32>
    %dot_general3A_690 = tpu.matmul %slice3A_687, %slice3A_688, %dot_general3A_689 {dimension_numbers = #tpu.dot_dimension_numbers<[1], [1], [0], [0], [0, 0, 1, 0], [], []>, transpose_lhs_hint = false} : vector<800x64xbf16>, vector<80x64xbf16>, vector<800x80xf32> -> vector<800x80xf32>
    %iota3A_691 = tpu.iota {dimensions = array<i32: 0>} : vector<800x80xi32>
    %jit3A_692 = arith.constant 50 : i32
    %div3A_693 = vector.broadcast %jit3A_692 : i32 to vector<800x80xi32>
    %div3A_694 = arith.divsi %iota3A_691, %div3A_693 : vector<800x80xi32>
    %sign3A_695 = arith.constant 0 : i32
    %sign3A_696 = vector.broadcast %sign3A_695 : i32 to vector<800x80xi32>
    %sign3A_697 = arith.cmpi sgt, %iota3A_691, %sign3A_696 : vector<800x80xi32>
    %sign3A_698 = arith.extui %sign3A_697 : vector<800x80xi1> to vector<800x80xi32>
    %sign3A_699 = arith.constant 0 : i32
    %sign3A_700 = vector.broadcast %sign3A_699 : i32 to vector<800x80xi32>
    %sign3A_701 = arith.cmpi slt, %iota3A_691, %sign3A_700 : vector<800x80xi32>
    %sign3A_702 = arith.extui %sign3A_701 : vector<800x80xi1> to vector<800x80xi32>
    %sign3A_703 = arith.subi %sign3A_698, %sign3A_702 : vector<800x80xi32>
    %sign3A_704 = arith.constant 0 : i32
    %sign3A_705 = arith.cmpi sgt, %jit3A_692, %sign3A_704 : i32
    %sign3A_706 = arith.extui %sign3A_705 : i1 to i32
    %sign3A_707 = arith.constant 0 : i32
    %sign3A_708 = arith.cmpi slt, %jit3A_692, %sign3A_707 : i32
    %sign3A_709 = arith.extui %sign3A_708 : i1 to i32
    %sign3A_710 = arith.subi %sign3A_706, %sign3A_709 : i32
    %ne3A_711 = vector.broadcast %sign3A_710 : i32 to vector<800x80xi32>
    %ne3A_712 = arith.cmpi ne, %sign3A_703, %ne3A_711 : vector<800x80xi32>
    %rem3A_713 = vector.broadcast %jit3A_692 : i32 to vector<800x80xi32>
    %rem3A_714 = arith.remsi %iota3A_691, %rem3A_713 : vector<800x80xi32>
    %ne3A_715 = arith.constant 0 : i32
    %ne3A_716 = vector.broadcast %ne3A_715 : i32 to vector<800x80xi32>
    %ne3A_717 = arith.cmpi ne, %rem3A_714, %ne3A_716 : vector<800x80xi32>
    %and3A_718 = arith.andi %ne3A_712, %ne3A_717 : vector<800x80xi1>
    %sub3A_719 = arith.constant 1 : i32
    %sub3A_720 = vector.broadcast %sub3A_719 : i32 to vector<800x80xi32>
    %sub3A_721 = arith.subi %div3A_694, %sub3A_720 : vector<800x80xi32>
    %select_n3A_722 = arith.select %and3A_718, %sub3A_721, %div3A_694 : vector<800x80xi1>, vector<800x80xi32>
    %iota3A_723 = tpu.iota {dimensions = array<i32: 1>} : vector<800x80xi32>
    %jit3A_724 = arith.constant 5 : i32
    %div3A_725 = vector.broadcast %jit3A_724 : i32 to vector<800x80xi32>
    %div3A_726 = arith.divsi %iota3A_723, %div3A_725 : vector<800x80xi32>
    %sign3A_727 = arith.constant 0 : i32
    %sign3A_728 = vector.broadcast %sign3A_727 : i32 to vector<800x80xi32>
    %sign3A_729 = arith.cmpi sgt, %iota3A_723, %sign3A_728 : vector<800x80xi32>
    %sign3A_730 = arith.extui %sign3A_729 : vector<800x80xi1> to vector<800x80xi32>
    %sign3A_731 = arith.constant 0 : i32
    %sign3A_732 = vector.broadcast %sign3A_731 : i32 to vector<800x80xi32>
    %sign3A_733 = arith.cmpi slt, %iota3A_723, %sign3A_732 : vector<800x80xi32>
    %sign3A_734 = arith.extui %sign3A_733 : vector<800x80xi1> to vector<800x80xi32>
    %sign3A_735 = arith.subi %sign3A_730, %sign3A_734 : vector<800x80xi32>
    %sign3A_736 = arith.constant 0 : i32
    %sign3A_737 = arith.cmpi sgt, %jit3A_724, %sign3A_736 : i32
    %sign3A_738 = arith.extui %sign3A_737 : i1 to i32
    %sign3A_739 = arith.constant 0 : i32
    %sign3A_740 = arith.cmpi slt, %jit3A_724, %sign3A_739 : i32
    %sign3A_741 = arith.extui %sign3A_740 : i1 to i32
    %sign3A_742 = arith.subi %sign3A_738, %sign3A_741 : i32
    %ne3A_743 = vector.broadcast %sign3A_742 : i32 to vector<800x80xi32>
    %ne3A_744 = arith.cmpi ne, %sign3A_735, %ne3A_743 : vector<800x80xi32>
    %rem3A_745 = vector.broadcast %jit3A_724 : i32 to vector<800x80xi32>
    %rem3A_746 = arith.remsi %iota3A_723, %rem3A_745 : vector<800x80xi32>
    %ne3A_747 = arith.constant 0 : i32
    %ne3A_748 = vector.broadcast %ne3A_747 : i32 to vector<800x80xi32>
    %ne3A_749 = arith.cmpi ne, %rem3A_746, %ne3A_748 : vector<800x80xi32>
    %and3A_750 = arith.andi %ne3A_744, %ne3A_749 : vector<800x80xi1>
    %sub3A_751 = arith.constant 1 : i32
    %sub3A_752 = vector.broadcast %sub3A_751 : i32 to vector<800x80xi32>
    %sub3A_753 = arith.subi %div3A_726, %sub3A_752 : vector<800x80xi32>
    %select_n3A_754 = arith.select %and3A_750, %sub3A_753, %div3A_726 : vector<800x80xi1>, vector<800x80xi32>
    %eq3A_755 = arith.cmpi eq, %select_n3A_722, %select_n3A_754 : vector<800x80xi32>
    %jit3A_756 = arith.constant 9.76562546E-7 : f32
    %jit3A_757 = arith.constant 0.000000e+00 : f32
    %broadcast_in_dim3A_758 = vector.broadcast %jit3A_756 : f32 to vector<800x80xf32>
    %broadcast_in_dim3A_759 = vector.broadcast %jit3A_757 : f32 to vector<800x80xf32>
    %select_n3A_760 = arith.select %eq3A_755, %broadcast_in_dim3A_758, %broadcast_in_dim3A_759 : vector<800x80xi1>, vector<800x80xf32>
    %max3A_761 = arith.constant 0.000000e+00 : f32
    %max3A_762 = vector.broadcast %max3A_761 : f32 to vector<800x80xf32>
    %max3A_763 = arith.maximumf %dot_general3A_690, %max3A_762 : vector<800x80xf32>
    %abs3A_764 = math.absf %dot_general3A_690 : vector<800x80xf32>
    %neg3A_765 = arith.constant 0.000000e+00 : f32
    %neg3A_766 = vector.broadcast %neg3A_765 : f32 to vector<800x80xf32>
    %neg3A_767 = arith.subf %neg3A_766, %abs3A_764 : vector<800x80xf32>
    %exp3A_768 = math.exp %neg3A_767 : vector<800x80xf32>
    %add3A_769 = arith.constant 1.000000e+00 : f32
    %add3A_770 = vector.broadcast %add3A_769 : f32 to vector<800x80xf32>
    %add3A_771 = arith.addf %add3A_770, %exp3A_768 : vector<800x80xf32>
    %log3A_772 = math.log %add3A_771 : vector<800x80xf32>
    %add3A_773 = arith.addf %max3A_763, %log3A_772 : vector<800x80xf32>
    %mul3A_774 = arith.mulf %add3A_773, %select_n3A_760 : vector<800x80xf32>
    %reduce_sum3A_775 = vector.shape_cast %mul3A_774 : vector<800x80xf32> to vector<1x800x80xf32>
    %reduce_sum3A_776 = arith.constant dense<0.000000e+00> : vector<1xf32>
    %reduce_sum3A_777 = vector.multi_reduction <add>, %reduce_sum3A_775, %reduce_sum3A_776 [1, 2] : vector<1x800x80xf32> to vector<1xf32>
    %reduce_sum3A_778 = vector.shape_cast %reduce_sum3A_777 : vector<1xf32> to vector<1x1x1xf32>
    %reduce_sum3A_779 = vector.extract %reduce_sum3A_778[0, 0, 0] : f32 from vector<1x1x1xf32>
    %add3A_780 = arith.addf %add3A_686, %reduce_sum3A_779 : f32
    %slice3A_781 = vector.extract_strided_slice %convert_element_type3A {offsets = [4800, 0], sizes = [800, 64], strides = [1, 1]} : vector<6400x64xbf16> to vector<800x64xbf16>
    %slice3A_782 = vector.extract_strided_slice %convert_element_type3A_15 {offsets = [480, 0], sizes = [80, 64], strides = [1, 1]} : vector<640x64xbf16> to vector<80x64xbf16>
    %dot_general3A_783 = arith.constant dense<0.000000e+00> : vector<800x80xf32>
    %dot_general3A_784 = tpu.matmul %slice3A_781, %slice3A_782, %dot_general3A_783 {dimension_numbers = #tpu.dot_dimension_numbers<[1], [1], [0], [0], [0, 0, 1, 0], [], []>, transpose_lhs_hint = false} : vector<800x64xbf16>, vector<80x64xbf16>, vector<800x80xf32> -> vector<800x80xf32>
    %iota3A_785 = tpu.iota {dimensions = array<i32: 0>} : vector<800x80xi32>
    %jit3A_786 = arith.constant 50 : i32
    %div3A_787 = vector.broadcast %jit3A_786 : i32 to vector<800x80xi32>
    %div3A_788 = arith.divsi %iota3A_785, %div3A_787 : vector<800x80xi32>
    %sign3A_789 = arith.constant 0 : i32
    %sign3A_790 = vector.broadcast %sign3A_789 : i32 to vector<800x80xi32>
    %sign3A_791 = arith.cmpi sgt, %iota3A_785, %sign3A_790 : vector<800x80xi32>
    %sign3A_792 = arith.extui %sign3A_791 : vector<800x80xi1> to vector<800x80xi32>
    %sign3A_793 = arith.constant 0 : i32
    %sign3A_794 = vector.broadcast %sign3A_793 : i32 to vector<800x80xi32>
    %sign3A_795 = arith.cmpi slt, %iota3A_785, %sign3A_794 : vector<800x80xi32>
    %sign3A_796 = arith.extui %sign3A_795 : vector<800x80xi1> to vector<800x80xi32>
    %sign3A_797 = arith.subi %sign3A_792, %sign3A_796 : vector<800x80xi32>
    %sign3A_798 = arith.constant 0 : i32
    %sign3A_799 = arith.cmpi sgt, %jit3A_786, %sign3A_798 : i32
    %sign3A_800 = arith.extui %sign3A_799 : i1 to i32
    %sign3A_801 = arith.constant 0 : i32
    %sign3A_802 = arith.cmpi slt, %jit3A_786, %sign3A_801 : i32
    %sign3A_803 = arith.extui %sign3A_802 : i1 to i32
    %sign3A_804 = arith.subi %sign3A_800, %sign3A_803 : i32
    %ne3A_805 = vector.broadcast %sign3A_804 : i32 to vector<800x80xi32>
    %ne3A_806 = arith.cmpi ne, %sign3A_797, %ne3A_805 : vector<800x80xi32>
    %rem3A_807 = vector.broadcast %jit3A_786 : i32 to vector<800x80xi32>
    %rem3A_808 = arith.remsi %iota3A_785, %rem3A_807 : vector<800x80xi32>
    %ne3A_809 = arith.constant 0 : i32
    %ne3A_810 = vector.broadcast %ne3A_809 : i32 to vector<800x80xi32>
    %ne3A_811 = arith.cmpi ne, %rem3A_808, %ne3A_810 : vector<800x80xi32>
    %and3A_812 = arith.andi %ne3A_806, %ne3A_811 : vector<800x80xi1>
    %sub3A_813 = arith.constant 1 : i32
    %sub3A_814 = vector.broadcast %sub3A_813 : i32 to vector<800x80xi32>
    %sub3A_815 = arith.subi %div3A_788, %sub3A_814 : vector<800x80xi32>
    %select_n3A_816 = arith.select %and3A_812, %sub3A_815, %div3A_788 : vector<800x80xi1>, vector<800x80xi32>
    %iota3A_817 = tpu.iota {dimensions = array<i32: 1>} : vector<800x80xi32>
    %jit3A_818 = arith.constant 5 : i32
    %div3A_819 = vector.broadcast %jit3A_818 : i32 to vector<800x80xi32>
    %div3A_820 = arith.divsi %iota3A_817, %div3A_819 : vector<800x80xi32>
    %sign3A_821 = arith.constant 0 : i32
    %sign3A_822 = vector.broadcast %sign3A_821 : i32 to vector<800x80xi32>
    %sign3A_823 = arith.cmpi sgt, %iota3A_817, %sign3A_822 : vector<800x80xi32>
    %sign3A_824 = arith.extui %sign3A_823 : vector<800x80xi1> to vector<800x80xi32>
    %sign3A_825 = arith.constant 0 : i32
    %sign3A_826 = vector.broadcast %sign3A_825 : i32 to vector<800x80xi32>
    %sign3A_827 = arith.cmpi slt, %iota3A_817, %sign3A_826 : vector<800x80xi32>
    %sign3A_828 = arith.extui %sign3A_827 : vector<800x80xi1> to vector<800x80xi32>
    %sign3A_829 = arith.subi %sign3A_824, %sign3A_828 : vector<800x80xi32>
    %sign3A_830 = arith.constant 0 : i32
    %sign3A_831 = arith.cmpi sgt, %jit3A_818, %sign3A_830 : i32
    %sign3A_832 = arith.extui %sign3A_831 : i1 to i32
    %sign3A_833 = arith.constant 0 : i32
    %sign3A_834 = arith.cmpi slt, %jit3A_818, %sign3A_833 : i32
    %sign3A_835 = arith.extui %sign3A_834 : i1 to i32
    %sign3A_836 = arith.subi %sign3A_832, %sign3A_835 : i32
    %ne3A_837 = vector.broadcast %sign3A_836 : i32 to vector<800x80xi32>
    %ne3A_838 = arith.cmpi ne, %sign3A_829, %ne3A_837 : vector<800x80xi32>
    %rem3A_839 = vector.broadcast %jit3A_818 : i32 to vector<800x80xi32>
    %rem3A_840 = arith.remsi %iota3A_817, %rem3A_839 : vector<800x80xi32>
    %ne3A_841 = arith.constant 0 : i32
    %ne3A_842 = vector.broadcast %ne3A_841 : i32 to vector<800x80xi32>
    %ne3A_843 = arith.cmpi ne, %rem3A_840, %ne3A_842 : vector<800x80xi32>
    %and3A_844 = arith.andi %ne3A_838, %ne3A_843 : vector<800x80xi1>
    %sub3A_845 = arith.constant 1 : i32
    %sub3A_846 = vector.broadcast %sub3A_845 : i32 to vector<800x80xi32>
    %sub3A_847 = arith.subi %div3A_820, %sub3A_846 : vector<800x80xi32>
    %select_n3A_848 = arith.select %and3A_844, %sub3A_847, %div3A_820 : vector<800x80xi1>, vector<800x80xi32>
    %eq3A_849 = arith.cmpi eq, %select_n3A_816, %select_n3A_848 : vector<800x80xi32>
    %jit3A_850 = arith.constant 9.76562546E-7 : f32
    %jit3A_851 = arith.constant 0.000000e+00 : f32
    %broadcast_in_dim3A_852 = vector.broadcast %jit3A_850 : f32 to vector<800x80xf32>
    %broadcast_in_dim3A_853 = vector.broadcast %jit3A_851 : f32 to vector<800x80xf32>
    %select_n3A_854 = arith.select %eq3A_849, %broadcast_in_dim3A_852, %broadcast_in_dim3A_853 : vector<800x80xi1>, vector<800x80xf32>
    %max3A_855 = arith.constant 0.000000e+00 : f32
    %max3A_856 = vector.broadcast %max3A_855 : f32 to vector<800x80xf32>
    %max3A_857 = arith.maximumf %dot_general3A_784, %max3A_856 : vector<800x80xf32>
    %abs3A_858 = math.absf %dot_general3A_784 : vector<800x80xf32>
    %neg3A_859 = arith.constant 0.000000e+00 : f32
    %neg3A_860 = vector.broadcast %neg3A_859 : f32 to vector<800x80xf32>
    %neg3A_861 = arith.subf %neg3A_860, %abs3A_858 : vector<800x80xf32>
    %exp3A_862 = math.exp %neg3A_861 : vector<800x80xf32>
    %add3A_863 = arith.constant 1.000000e+00 : f32
    %add3A_864 = vector.broadcast %add3A_863 : f32 to vector<800x80xf32>
    %add3A_865 = arith.addf %add3A_864, %exp3A_862 : vector<800x80xf32>
    %log3A_866 = math.log %add3A_865 : vector<800x80xf32>
    %add3A_867 = arith.addf %max3A_857, %log3A_866 : vector<800x80xf32>
    %mul3A_868 = arith.mulf %add3A_867, %select_n3A_854 : vector<800x80xf32>
    %reduce_sum3A_869 = vector.shape_cast %mul3A_868 : vector<800x80xf32> to vector<1x800x80xf32>
    %reduce_sum3A_870 = arith.constant dense<0.000000e+00> : vector<1xf32>
    %reduce_sum3A_871 = vector.multi_reduction <add>, %reduce_sum3A_869, %reduce_sum3A_870 [1, 2] : vector<1x800x80xf32> to vector<1xf32>
    %reduce_sum3A_872 = vector.shape_cast %reduce_sum3A_871 : vector<1xf32> to vector<1x1x1xf32>
    %reduce_sum3A_873 = vector.extract %reduce_sum3A_872[0, 0, 0] : f32 from vector<1x1x1xf32>
    %add3A_874 = arith.addf %add3A_780, %reduce_sum3A_873 : f32
    %slice3A_875 = vector.extract_strided_slice %convert_element_type3A {offsets = [5600, 0], sizes = [800, 64], strides = [1, 1]} : vector<6400x64xbf16> to vector<800x64xbf16>
    %slice3A_876 = vector.extract_strided_slice %convert_element_type3A_15 {offsets = [560, 0], sizes = [80, 64], strides = [1, 1]} : vector<640x64xbf16> to vector<80x64xbf16>
    %dot_general3A_877 = arith.constant dense<0.000000e+00> : vector<800x80xf32>
    %dot_general3A_878 = tpu.matmul %slice3A_875, %slice3A_876, %dot_general3A_877 {dimension_numbers = #tpu.dot_dimension_numbers<[1], [1], [0], [0], [0, 0, 1, 0], [], []>, transpose_lhs_hint = false} : vector<800x64xbf16>, vector<80x64xbf16>, vector<800x80xf32> -> vector<800x80xf32>
    %iota3A_879 = tpu.iota {dimensions = array<i32: 0>} : vector<800x80xi32>
    %jit3A_880 = arith.constant 50 : i32
    %div3A_881 = vector.broadcast %jit3A_880 : i32 to vector<800x80xi32>
    %div3A_882 = arith.divsi %iota3A_879, %div3A_881 : vector<800x80xi32>
    %sign3A_883 = arith.constant 0 : i32
    %sign3A_884 = vector.broadcast %sign3A_883 : i32 to vector<800x80xi32>
    %sign3A_885 = arith.cmpi sgt, %iota3A_879, %sign3A_884 : vector<800x80xi32>
    %sign3A_886 = arith.extui %sign3A_885 : vector<800x80xi1> to vector<800x80xi32>
    %sign3A_887 = arith.constant 0 : i32
    %sign3A_888 = vector.broadcast %sign3A_887 : i32 to vector<800x80xi32>
    %sign3A_889 = arith.cmpi slt, %iota3A_879, %sign3A_888 : vector<800x80xi32>
    %sign3A_890 = arith.extui %sign3A_889 : vector<800x80xi1> to vector<800x80xi32>
    %sign3A_891 = arith.subi %sign3A_886, %sign3A_890 : vector<800x80xi32>
    %sign3A_892 = arith.constant 0 : i32
    %sign3A_893 = arith.cmpi sgt, %jit3A_880, %sign3A_892 : i32
    %sign3A_894 = arith.extui %sign3A_893 : i1 to i32
    %sign3A_895 = arith.constant 0 : i32
    %sign3A_896 = arith.cmpi slt, %jit3A_880, %sign3A_895 : i32
    %sign3A_897 = arith.extui %sign3A_896 : i1 to i32
    %sign3A_898 = arith.subi %sign3A_894, %sign3A_897 : i32
    %ne3A_899 = vector.broadcast %sign3A_898 : i32 to vector<800x80xi32>
    %ne3A_900 = arith.cmpi ne, %sign3A_891, %ne3A_899 : vector<800x80xi32>
    %rem3A_901 = vector.broadcast %jit3A_880 : i32 to vector<800x80xi32>
    %rem3A_902 = arith.remsi %iota3A_879, %rem3A_901 : vector<800x80xi32>
    %ne3A_903 = arith.constant 0 : i32
    %ne3A_904 = vector.broadcast %ne3A_903 : i32 to vector<800x80xi32>
    %ne3A_905 = arith.cmpi ne, %rem3A_902, %ne3A_904 : vector<800x80xi32>
    %and3A_906 = arith.andi %ne3A_900, %ne3A_905 : vector<800x80xi1>
    %sub3A_907 = arith.constant 1 : i32
    %sub3A_908 = vector.broadcast %sub3A_907 : i32 to vector<800x80xi32>
    %sub3A_909 = arith.subi %div3A_882, %sub3A_908 : vector<800x80xi32>
    %select_n3A_910 = arith.select %and3A_906, %sub3A_909, %div3A_882 : vector<800x80xi1>, vector<800x80xi32>
    %iota3A_911 = tpu.iota {dimensions = array<i32: 1>} : vector<800x80xi32>
    %jit3A_912 = arith.constant 5 : i32
    %div3A_913 = vector.broadcast %jit3A_912 : i32 to vector<800x80xi32>
    %div3A_914 = arith.divsi %iota3A_911, %div3A_913 : vector<800x80xi32>
    %sign3A_915 = arith.constant 0 : i32
    %sign3A_916 = vector.broadcast %sign3A_915 : i32 to vector<800x80xi32>
    %sign3A_917 = arith.cmpi sgt, %iota3A_911, %sign3A_916 : vector<800x80xi32>
    %sign3A_918 = arith.extui %sign3A_917 : vector<800x80xi1> to vector<800x80xi32>
    %sign3A_919 = arith.constant 0 : i32
    %sign3A_920 = vector.broadcast %sign3A_919 : i32 to vector<800x80xi32>
    %sign3A_921 = arith.cmpi slt, %iota3A_911, %sign3A_920 : vector<800x80xi32>
    %sign3A_922 = arith.extui %sign3A_921 : vector<800x80xi1> to vector<800x80xi32>
    %sign3A_923 = arith.subi %sign3A_918, %sign3A_922 : vector<800x80xi32>
    %sign3A_924 = arith.constant 0 : i32
    %sign3A_925 = arith.cmpi sgt, %jit3A_912, %sign3A_924 : i32
    %sign3A_926 = arith.extui %sign3A_925 : i1 to i32
    %sign3A_927 = arith.constant 0 : i32
    %sign3A_928 = arith.cmpi slt, %jit3A_912, %sign3A_927 : i32
    %sign3A_929 = arith.extui %sign3A_928 : i1 to i32
    %sign3A_930 = arith.subi %sign3A_926, %sign3A_929 : i32
    %ne3A_931 = vector.broadcast %sign3A_930 : i32 to vector<800x80xi32>
    %ne3A_932 = arith.cmpi ne, %sign3A_923, %ne3A_931 : vector<800x80xi32>
    %rem3A_933 = vector.broadcast %jit3A_912 : i32 to vector<800x80xi32>
    %rem3A_934 = arith.remsi %iota3A_911, %rem3A_933 : vector<800x80xi32>
    %ne3A_935 = arith.constant 0 : i32
    %ne3A_936 = vector.broadcast %ne3A_935 : i32 to vector<800x80xi32>
    %ne3A_937 = arith.cmpi ne, %rem3A_934, %ne3A_936 : vector<800x80xi32>
    %and3A_938 = arith.andi %ne3A_932, %ne3A_937 : vector<800x80xi1>
    %sub3A_939 = arith.constant 1 : i32
    %sub3A_940 = vector.broadcast %sub3A_939 : i32 to vector<800x80xi32>
    %sub3A_941 = arith.subi %div3A_914, %sub3A_940 : vector<800x80xi32>
    %select_n3A_942 = arith.select %and3A_938, %sub3A_941, %div3A_914 : vector<800x80xi1>, vector<800x80xi32>
    %eq3A_943 = arith.cmpi eq, %select_n3A_910, %select_n3A_942 : vector<800x80xi32>
    %jit3A_944 = arith.constant 9.76562546E-7 : f32
    %jit3A_945 = arith.constant 0.000000e+00 : f32
    %broadcast_in_dim3A_946 = vector.broadcast %jit3A_944 : f32 to vector<800x80xf32>
    %broadcast_in_dim3A_947 = vector.broadcast %jit3A_945 : f32 to vector<800x80xf32>
    %select_n3A_948 = arith.select %eq3A_943, %broadcast_in_dim3A_946, %broadcast_in_dim3A_947 : vector<800x80xi1>, vector<800x80xf32>
    %max3A_949 = arith.constant 0.000000e+00 : f32
    %max3A_950 = vector.broadcast %max3A_949 : f32 to vector<800x80xf32>
    %max3A_951 = arith.maximumf %dot_general3A_878, %max3A_950 : vector<800x80xf32>
    %abs3A_952 = math.absf %dot_general3A_878 : vector<800x80xf32>
    %neg3A_953 = arith.constant 0.000000e+00 : f32
    %neg3A_954 = vector.broadcast %neg3A_953 : f32 to vector<800x80xf32>
    %neg3A_955 = arith.subf %neg3A_954, %abs3A_952 : vector<800x80xf32>
    %exp3A_956 = math.exp %neg3A_955 : vector<800x80xf32>
    %add3A_957 = arith.constant 1.000000e+00 : f32
    %add3A_958 = vector.broadcast %add3A_957 : f32 to vector<800x80xf32>
    %add3A_959 = arith.addf %add3A_958, %exp3A_956 : vector<800x80xf32>
    %log3A_960 = math.log %add3A_959 : vector<800x80xf32>
    %add3A_961 = arith.addf %max3A_951, %log3A_960 : vector<800x80xf32>
    %mul3A_962 = arith.mulf %add3A_961, %select_n3A_948 : vector<800x80xf32>
    %reduce_sum3A_963 = vector.shape_cast %mul3A_962 : vector<800x80xf32> to vector<1x800x80xf32>
    %reduce_sum3A_964 = arith.constant dense<0.000000e+00> : vector<1xf32>
    %reduce_sum3A_965 = vector.multi_reduction <add>, %reduce_sum3A_963, %reduce_sum3A_964 [1, 2] : vector<1x800x80xf32> to vector<1xf32>
    %reduce_sum3A_966 = vector.shape_cast %reduce_sum3A_965 : vector<1xf32> to vector<1x1x1xf32>
    %reduce_sum3A_967 = vector.extract %reduce_sum3A_966[0, 0, 0] : f32 from vector<1x1x1xf32>
    %add3A_968 = arith.addf %add3A_874, %reduce_sum3A_967 : f32
    %eq3A_969 = arith.constant 0 : i32
    %eq3A_970 = arith.cmpi eq, %arg0, %eq3A_969 : i32
    %convert_element_type3A_971 = arith.extui %eq3A_970 : i1 to i32
    %cond3A = arith.constant 0 : i32
    %cond3A_972 = arith.cmpi ne, %convert_element_type3A_971, %cond3A : i32
    scf.if %cond3A_972 {
      %broadcast_in_dim3A_980 = arith.constant 0.000000e+00 : f32
      %broadcast_in_dim3A_981 = vector.broadcast %broadcast_in_dim3A_980 : f32 to vector<1x1xf32>
      %swap3A_982 = arith.constant 0 : index
      %swap3A_983 = arith.constant 0 : index
      %swap3A_984 = vector.load %arg3[%swap3A_982, %swap3A_983] : memref<1x1xf32, #tpu.memory_space<vmem>>, vector<1x1xf32>
      tpu.vector_store %arg3[%swap3A_982, %swap3A_983], %broadcast_in_dim3A_981 {strides = array<i32>} : memref<1x1xf32, #tpu.memory_space<vmem>>, vector<1x1xf32>,
    } else {
    }
    %get3A_973 = arith.constant 0 : index
    %get3A_974 = arith.constant 0 : index
    %get3A_975 = vector.load %arg3[%get3A_973, %get3A_974] : memref<1x1xf32, #tpu.memory_space<vmem>>, vector<1x1xf32>
    %add3A_976 = vector.broadcast %add3A_968 : f32 to vector<1x1xf32>
    %add3A_977 = arith.addf %get3A_975, %add3A_976 : vector<1x1xf32>
    %swap3A = arith.constant 0 : index
    %swap3A_978 = arith.constant 0 : index
    %swap3A_979 = vector.load %arg3[%swap3A, %swap3A_978] : memref<1x1xf32, #tpu.memory_space<vmem>>, vector<1x1xf32>
    tpu.vector_store %arg3[%swap3A, %swap3A_978], %add3A_977 {strides = array<i32>} : memref<1x1xf32, #tpu.memory_space<vmem>>, vector<1x1xf32>,
    return
  }
  func.func @transform_0(%arg0: i32) -> (i32, i32) {
    %c0_i32 = arith.constant 0 : i32
    %c0_i32_0 = arith.constant 0 : i32
    return %arg0, %c0_i32 : i32, i32
  }
  func.func @transform_1(%arg0: i32) -> (i32, i32) {
    %c0_i32 = arith.constant 0 : i32
    %c0_i32_0 = arith.constant 0 : i32
    return %arg0, %c0_i32 : i32, i32
  }
  func.func @transform_2(%arg0: i32) -> (i32, i32) {
    %c0_i32 = arith.constant 0 : i32
    %c0_i32_0 = arith.constant 0 : i32
    %c0_i32_1 = arith.constant 0 : i32
    return %c0_i32, %c0_i32_0 : i32, i32
  }
}

</mosaic_0001>

<sc_bundles>
// kernel: kernel.6.cloned.1.call-start
scs
__scs_entry_jumppad:
0x0: {  	(pc) =	sbr.rel $0x88, $3  }
0x1: {  	(tag) =	ssettag $0x0;
	lr =	simm.s32 $0x1  }
0x2: {  	[smem:$0x3F9D] =	sst lr;
	_ =	strace $0xD0000000  }
0x3: {  	_ = 	snop  }
0x4: {  	_ = 	snop  }
0x5: {  	_ = 	snop  }
0x6: {  	_ = 	snop  }
0x7: {  	_ = 	snop  }
__scs_overlays_trampoline_lowered:
0x8: {  	[smem:$0x3FAC] =	sst s0  }
0x9: {  	[smem:$0x3FAD] =	sst s1  }
0xa: {  	[smem:$0x3FAE] =	sst s2  }
0xb: {  	[smem:$0x3FAF] =	sst s3  }
0xc: {  	[smem:$0x3FB0] =	sst s4  }
0xd: {  	[smem:$0x3FB1] =	sst s5  }
0xe: {  	[smem:$0x3FB2] =	sst s6  }
0xf: {  	[smem:$0x3FB3] =	sst s7  }
0x10: {  	[smem:$0x3FB4] =	sst s8  }
0x11: {  	[smem:$0x3FB5] =	sst s9;
	s0 =	simm.s32 @!p0 $0x0  }
0x12: {  	s1 =	sld [smem:$0x3F9B];
	s0 =	simm.s32 @p0 $0x1  }
0x13: {  	[smem:$0x3FB6] =	sst s0;
	s0 =	simm.s32 @!p1 $0x0  }
0x14: {  	s2 =	sld [smem:$0x3F9A];
	s0 =	simm.s32 @p1 $0x1  }
0x15: {  	[smem:$0x3FB7] =	sst s0;
	s0 =	simm.s32 @!p2 $0x0  }
0x16: {  	s3 =	sld [smem:$0x3FDB];
	s0 =	simm.s32 @p2 $0x1  }
0x17: {  	s4 =	simm.s32 $0x1BF5;
	[smem:$0x3FB9] =	sst s0  }
0x18: {  	s0 =	sld [smem:$0x3F9C];
	_ =	swait.ge [sflag:s4], $0x0  }
0x19: {  	s7 =	sld [smem:$0x3F9D]  }
0x1a: {  	s8 =	sadd.s32 $0xFFFFE003, lr  }
0x1b: {  	s9 =	sadd.s32 $0xFFFFFEF7, lr;
	s5 =	simm.s32 $0xFFFFFFFF;
	p2 =	slt.u32 s8, $0xFFFFF086  }
0x1c: {  	p1 =	slt.u32 s9, $0xF7A;
	s5 =	simm.s32 @!p2 $0x0  }
0x1d: {  	s5 =	simm.s32 @p1 $0x1;
	p0 =	seq.s32 s7, s2  }
0x1e: {  	s7 =	smul.u32 @!p0 $0xF7A, s2;
	p2 =	seq.s32 @!p0 s5, $0x0  }
0x1f: {  	s9 =	smul.u32 $0xF7A, s1;
	s8 =	simm.s32 @!p0 $0x1BF5;
	p2 =	por !p2, p0  }
0x20: {  	[sflag:s8] =	ssyncset.s32 @!p0 $0xFFFFF086;
	s6 =	sadd.s32 @!p0 s3, s7;
	s7 =	simm.s32 @!p0 $0x108  }
0x21: {  	s3 =	sadd.s32 s3, s9;
	s6 =	sadd.s32 @!p0 $0x88, s6;
	s7 =	simm.s32 @p2 $0x1082  }
0x22: {  	[simem:s7], [sflag:s8] =	dma.local @!p0 [hbm:s6], $0xF7A  }
0x23: {  	s9 =	sor.u32 $0xD0000000, s2;
	s6 =	simm.s32 $0x108;
	_ =	swait.ge @!p0 [sflag:s8], $0x0  }
0x24: {  	s3 =	sadd.s32 $0x88, s3;
	s6 =	simm.s32 @!p1 $0x1082;
	[sflag:s4] =	ssyncset.s32 $0xFFFFF086  }
0x25: {  	[simem:s6], [sflag:s4] =	dma.local [hbm:s3], $0xF7A  }
0x26: {  	[smem:$0x3F9D] =	sst s1;
	(tag) =	ssettag s2;
	_ =	strace s9  }
0x27: {  	s1 =	sld [smem:$0x3FAD]  }
0x28: {  	s2 =	sld [smem:$0x3FAE]  }
0x29: {  	s4 =	sld [smem:$0x3FB0]  }
0x2a: {  	p0 =	seq.s32 s5, $0x0;
	s5 =	sld [smem:$0x3FB1]  }
0x2b: {  	s6 =	sld [smem:$0x3FB2]  }
0x2c: {  	s7 =	sld [smem:$0x3FB3]  }
0x2d: {  	s3 =	simm.s32 $0x108;
	s8 =	sld [smem:$0x3FB4]  }
0x2e: {  	s3 =	simm.s32 @!p0 $0x1082;
	s9 =	sld [smem:$0x3FB5]  }
0x2f: {  	lr =	sadd.s32 s0, s3;
	s0 =	sld [smem:$0x3FAC]  }
0x30: {  	s3 =	sld [smem:$0x3FAF]  }
0x31: {  	[smem:$0x3FB8] =	sst s10  }
0x32: {  	s10 =	sld [smem:$0x3FB6];
	_ =	sdelay $0x3  }
0x33: {  	p0 =	seq.s32 s10, $0x1;
	s10 =	sld [smem:$0x3FB8];
	_ =	sdelay $0x3  }
0x34: {  	[smem:$0x3FB8] =	sst s10  }
0x35: {  	s10 =	sld [smem:$0x3FB7];
	_ =	sdelay $0x3  }
0x36: {  	p1 =	seq.s32 s10, $0x1;
	s10 =	sld [smem:$0x3FB8];
	_ =	sdelay $0x3  }
0x37: {  	[smem:$0x3FB8] =	sst s10  }
0x38: {  	s10 =	sld [smem:$0x3FB9]  }
0x39: {  	_ = 	snop;
	(pc) =	sbr.ind lr, $3  }
0x3a: {  	_ = 	snop  }
0x3b: {  	_ = 	snop  }
0x3c: {  	p2 =	seq.s32 s10, $0x1;
	s10 =	sld [smem:$0x3FB8]  }
0x3d: {  	_ =	shalt  }
0x3e: {  	_ =	shalt  }
0x3f: {  	_ =	shalt  }
0x40: {  	_ =	shalt  }
0x41: {  	_ =	shalt  }
0x42: {  	_ =	shalt  }
0x43: {  	_ =	shalt  }
0x44: {  	_ =	shalt  }
0x45: {  	_ =	shalt  }
0x46: {  	_ =	shalt  }
0x47: {  	_ =	shalt  }
0x48: {  	_ =	shalt  }
0x49: {  	_ =	shalt  }
0x4a: {  	_ =	shalt  }
0x4b: {  	_ =	shalt  }
0x4c: {  	_ =	shalt  }
0x4d: {  	_ =	shalt  }
0x4e: {  	_ =	shalt  }
0x4f: {  	_ =	shalt  }
0x50: {  	_ =	shalt  }
0x51: {  	_ =	shalt  }
0x52: {  	_ =	shalt  }
0x53: {  	_ =	shalt  }
0x54: {  	_ =	shalt  }
0x55: {  	_ =	shalt  }
0x56: {  	_ =	shalt  }
0x57: {  	_ =	shalt  }
0x58: {  	_ =	shalt  }
0x59: {  	_ =	shalt  }
0x5a: {  	_ =	shalt  }
0x5b: {  	_ =	shalt  }
0x5c: {  	_ =	shalt  }
0x5d: {  	_ =	shalt  }
0x5e: {  	_ =	shalt  }
0x5f: {  	_ =	shalt  }
0x60: {  	_ =	shalt  }
0x61: {  	_ =	shalt  }
0x62: {  	_ =	shalt  }
0x63: {  	_ =	shalt  }
0x64: {  	_ =	shalt  }
0x65: {  	_ =	shalt  }
0x66: {  	_ =	shalt  }
0x67: {  	_ =	shalt  }
0x68: {  	_ =	shalt  }
0x69: {  	_ =	shalt  }
0x6a: {  	_ =	shalt  }
0x6b: {  	_ =	shalt  }
0x6c: {  	_ =	shalt  }
0x6d: {  	_ =	shalt  }
0x6e: {  	_ =	shalt  }
0x6f: {  	_ =	shalt  }
0x70: {  	_ =	shalt  }
0x71: {  	_ =	shalt  }
0x72: {  	_ =	shalt  }
0x73: {  	_ =	shalt  }
0x74: {  	_ =	shalt  }
0x75: {  	_ =	shalt  }
0x76: {  	_ =	shalt  }
0x77: {  	_ =	shalt  }
0x78: {  	_ =	shalt  }
0x79: {  	_ =	shalt  }
0x7a: {  	_ =	shalt  }
0x7b: {  	_ =	shalt  }
0x7c: {  	_ =	shalt  }
0x7d: {  	_ =	shalt  }
0x7e: {  	_ =	shalt  }
0x7f: {  	_ =	shalt  }
0x80: {  	_ =	shalt  }
0x81: {  	_ =	shalt  }
0x82: {  	_ =	shalt  }
0x83: {  	_ =	shalt  }
0x84: {  	_ =	shalt  }
0x85: {  	_ =	shalt  }
0x86: {  	_ =	shalt  }
0x87: {  	_ =	shalt  }
.Lfunc_end0:
.L_simem_size_0:
called_computation.1_lowered:
.L_overlay_start_0:
0x88: {  	s2 =	sld [smem:$0x3FD9]  }
0x89: {  	s3 =	sld [smem:$0x3FFE];
	_ =	sdelay $0x1  }
0x8a: {  	s1 =	srdreg.scid  }
0x8b: {  	s0 =	sand.u32 $0x1, s1  }
0x8c: {  	s17 =	sshll.u32 s0, $0xA;
	s2 =	sadd.s32 s3, s2  }
0x8d: {  	s2 =	sadd.s32 s2, s17  }
0x8e: {  	[smem:$0x3FC4] =	sst s2  }
0x8f: {  	_ = 	snop  }
0x90: {  	(tm) =	ssettm $0x1  }
0x91: {  	s18 =	sld [smem:$0x3FFB];
	_ =	sdelay $0x3  }
0x92: {  	_ =	strace s18  }
0x93: {  	s2 =	sld [smem:$0x3FFC];
	_ =	sdelay $0x3  }
0x94: {  	_ =	strace s2  }
0x95: {  	s2 =	sld [smem:$0x3FFD];
	_ =	sdelay $0x3  }
0x96: {  	_ =	strace s2  }
0x97: {  	_ =	strace $0x8FFFFFFF  }
0x98: {  	s19 =	sld [smem:$0x3FDB];
	_ =	sdelay $0x1  }
0x99: {  	s20 =	simm.s32 $_scs_section_size  }
0x9a: {  	s4 =	simm.s32 $_size__tile_overlayer_lowered;
	s5 =	simm.s32 $_tile_overlayer_lowered  }
0x9b: {  	s6 =	simm.s32 $0x1BFF;
	s21 =	sshll.u32 s5, $0x1;
	s3 =	sadd.s32 s20, s19  }
0x9c: {  	s22 =	simm.s32 $0x0;
	s4 =	sshll.u32 s4, $0x1;
	s5 =	sadd.s32 s21, s3  }
0x9d: {  	[timem:s22], [sflag:s6] =	dma.local [hbm:s5], s4  }
0x9e: {  	_ =	swait.ge [sflag:s6], s4  }
0x9f: {  	s4 =	ssub.s32 $0x0, s4;
	[sflag:s6] =	ssyncset.done $0x0  }
0xa0: {  	[sflag:s6] =	ssyncadd.s32 s4;
	_ =	sdelay $0x1  }
0xa1: {  	s23 =	simm.s32 $0x1B8B  }
0xa2: {  	_ =	swait.ge [sflag:s23], $0x1  }
0xa3: {  	[sflag:s23] =	ssyncset.done $0x0  }
0xa4: {  	[sflag:s23] =	ssyncadd.s32 $0xFFFFFFFF  }
0xa5: {  	s4 =	sld [smem:$0x0]  }
0xa6: {  	s5 =	sand.u32 $0xFFFFFFFE, s1  }
0xa7: {  	p0 =	sne.s32 s1, s5  }
0xa8: {  	s5 =	sshll.u32 @p0 s5, $0xE  }
0xa9: {  	s5 =	sadd.s32 @p0 $0x11B8D, s5;
	s6 =	sshll.u32 @p0 s4, $0x11  }
0xaa: {  	s5 =	sor.u32 @p0 s6, s5  }
0xab: {  	[sflag:s5] =	ssyncadd.remote.s32 @p0 $0x1;
	_ =	sdelay $0x1  }
0xac: {  	s5 =	simm.s32 @p0 $0x1B8D  }
0xad: {  	_ =	swait.eq @p0 [sflag:s5], $0x1  }
0xae: {  	[sflag:s5] =	ssyncadd.s32 @p0 $0xFFFFFFFF  }
0xaf: {  	s6 =	sshll.u32 @!p0 s1, $0xE  }
0xb0: {  	s6 =	sor.u32 @!p0 $0x4000, s6;
	s5 =	simm.s32 @!p0 $0x1B8D  }
0xb1: {  	s4 =	sshll.u32 @!p0 s4, $0x11;
	s6 =	sadd.s32 @!p0 $0x11B8D, s6;
	_ =	swait.eq @!p0 [sflag:s5], $0x1  }
0xb2: {  	s4 =	sor.u32 @!p0 s4, s6;
	[sflag:s5] =	ssyncadd.s32 @!p0 $0xFFFFFFFF  }
0xb3: {  	s25 =	simm.s32 $0x1B8E;
	s24 =	sld [smem:$0x3FFE];
	[sflag:s4] =	ssyncadd.remote.s32 @!p0 $0x1  }
0xb4: {  	s26 =	simm.s32 $execute0_lowered;
	[smem:$0x3FD2] =	sst s25  }
0xb5: {  	s5 =	sshll.u32 s26, $0x1;
	_ =	strace $0x8000004C;
	[dreg:$0x1] =	wrdreg $0xFFFFFFFF  }
0xb6: {  	s28 =	simm.s32 $_size_execute0_lowered;
	s3 =	sadd.s32 s3, s5;
	[dreg:$0x0] =	wrdreg $0x0  }
0xb7: {  	s5 =	sshll.u32 s28, $0x1;
	[dreg:$0x2] =	wrdreg s3  }
0xb8: {  	[dreg:$0x3] =	wrdreg s5  }
0xb9: {  	[dreg:$0x4] =	wrdreg $0xC0  }
0xba: {  	_ =	task [dreg:s22], $0x5FFFF  }
0xbb: {  	[dreg:$0x1] =	wrdreg $0xFFFFFFFF  }
0xbc: {  	[dreg:$0x0] =	wrdreg $0x60  }
0xbd: {  	[dreg:$0x2] =	wrdreg s24  }
0xbe: {  	[dreg:$0x3] =	wrdreg $0x9  }
0xbf: {  	_ =	task.clear_ibuf [dreg:s22], $0x4FFFF;
	_ =	strace $0x9000004C  }
0xc0: {  	s29 =	simm.s32 $0x9;
	_ =	strace $0x8000004E  }
0xc1: {  	_ =	swait.ge [sflag:s29], $0x1  }
0xc2: {  	[sflag:s29] =	ssyncadd.s32 $0xFFFFFFFF  }
0xc3: {  	_ =	strace $0x9000004E  }
0xc4: {  	_ =	sfence  }
0xc5: {  	s30 =	sld [smem:$0x0];
	_ =	sdelay $0x2  }
0xc6: {  	s31 =	sshll.u32 s1, $0xD;
	s1 =	sshrl.u32 s1, $0x2  }
0xc7: {  	s4 =	sand.u32 $0x4000, s31;
	s1 =	sadd.s32 s1, s30  }
0xc8: {  	s0 =	sor.u32 s4, s0;
	s1 =	sshll.u32 s1, $0x11  }
0xc9: {  	s0 =	sor.u32 s1, s0  }
0xca: {  	s0 =	sadd.s32 $0x8F2B, s0  }
0xcb: {  	[sflag:s0] =	ssyncadd.remote.s32 $0x1  }
0xcc: {  	_ =	sfence.sel $0xFFFF  }
0xcd: {  	[dreg:$0x0] =	wrdreg $0xFFFFFFFF;
	(pc) =	sbr.abs _section_cstart, $3  }
0xce: {  	[dreg:$0x1] =	wrdreg $0xFFFFFFFF  }
0xcf: {  	_ =	task.clear_ibuf [dreg:s22], $0x2FFFF;
	_ =	strace $0x9FFFFFFF  }
0xd0: {  	(tm) =	ssettm $0x7FFFFFFF  }
0xd1: {  	_ =	shalt  }
tec
execute0_lowered:
.L_overlay_start_1:
0x0: {  	(tag) =	ssettag $0x1  }
0x1: {  	s4 =	rddreg [dreg:$0x0];
	s2 =	simm.s32 $0x0;
	s3 =	srdreg.scid  }
0x2: {  	s1 =	stileid.u32;
	[smem:$0x7FF] =	sst s2;
	s16 =	sand.u32 $0x1, s3  }
0x3: {  	s20 =	sshll.u32 s1, $0x1;
	s3 =	sadd.s32 $0x2000, s4;
	s18 =	sadd.s32 $0x87F200, s4  }
0x4: {  	s15 =	sadd.s32 $0x882400, s4;
	s5 =	sor.u32 s16, s20;
	s28 =	smul.u32 $0x6400, s16  }
0x5: {  	s17 =	sadd.s32 $0x882A00, s4;
	s7 =	ssub.s32 $0x2, s16;
	s6 =	smul.u32 $0xC80, s5  }
0x6: {  	s19 =	sadd.s32 $0x94AA00, s4;
	s8 =	sshrl.u32 s7, $0x1;
	s14 =	smul.u32 $0x140, s5  }
0x7: {  	_ =	strace $0x8000004D;
	s9 =	smul.u32 $0xA00, s5;
	s7 =	ssub.s32 s7, s8  }
0x8: {  	s6 =	sadd.s32 $0xC00, s6;
	s22 =	sshrl.u32 s14, $0x3;
	s7 =	smax.u32 s7, $0x1  }
0x9: {  	s8 =	sadd.s32 s19, s9;
	s23 =	sadd.s32 $0x40, s14;
	s12 =	sadd.s32 $0x80, s14  }
0xa: {  	s20 =	sadd.s32 $0xC0, s14;
	s21 =	sshrl.u32 s6, $0x3;
	s6 =	sshll.u32 s6, $0x3  }
0xb: {  	s10 =	sshrl.u32 s23, $0x3;
	s11 =	sshll.u32 s23, $0x3;
	s24 =	sshrl.u32 s12, $0x3  }
0xc: {  	s12 =	sshll.u32 s12, $0x3;
	s13 =	sshrl.u32 s20, $0x3;
	s23 =	smul.u32 $0x1900, s1  }
0xd: {  	s25 =	sshll.u32 s20, $0x3;
	s20 =	simm.s32 $0x80;
	s4 =	sadd.s32 s18, s21  }
0xe: {  	s5 =	sadd.s32 s17, s6;
	s6 =	sadd.s32 s15, s22;
	s9 =	sadd.s32 s15, s10  }
0xf: {  	s10 =	sadd.s32 s19, s11;
	s11 =	sadd.s32 s15, s24;
	s12 =	sadd.s32 s19, s12  }
0x10: {  	s21 =	smul.u32 $0xC800, s1;
	s13 =	sadd.s32 s15, s13;
	s22 =	sadd.s32 $0x100, s14  }
0x11: {  	s24 =	smul.u32 $0xC80, s16;
	s14 =	sadd.s32 s19, s25;
	s25 =	simm.s32 $0x40  }
0x12: {  	s26 =	sshrl.u32 s22, $0x3;
	s29 =	sshll.u32 s22, $0x3;
	s22 =	simm.s32 $0x2100  }
0x13: {  	s15 =	sadd.s32 s15, s26;
	s17 =	sadd.s32 s21, s17;
	s30 =	sadd.s32 s24, s23  }
0x14: {  	s16 =	sadd.s32 s19, s29;
	s19 =	simm.s32 $0x3;
	s21 =	simm.s32 $0x100  }
0x15: {  	s23 =	simm.s32 $0x1;
	s24 =	simm.s32 $0x2;
	s31 =	sshrl.u32 s30, $0x3  }
0x16: {  	s26 =	simm.s32 $0x0;
	s17 =	sadd.s32 s28, s17;
	s18 =	sadd.s32 s31, s18  }
.LBB2_1:
0x17: {  	s28 =	sadd.s32 $0x0, s18  }
0x18: {  	[tilespmem:s2], [sflag:$0x3] =	stream.linear.gather [hbm4b:s28+s2], $0x100, $0x38;
	[tilespmem:$0x4100] =	vst v63  }
0x19: {  	_ =	swait.ge [sflag:s19], $0x100  }
0x1a: {  	[sflag:s19] =	ssyncset.done $0x0  }
0x1b: {  	[sflag:s19] =	ssyncadd.s32 $0xFFFFFF00  }
0x1c: {  	[tilespmem:s21], [sflag:$0x1] =	stream.indirect.gather [hbm4b:s3+s20], $0x40, s2, s20, $0xb8;
	[tilespmem:$0x4100] =	vst v63  }
0x1d: {  	_ = 	snop  }
0x1e: {  	[tilespmem:s22], [sflag:$0x2] =	stream.indirect.gather [hbm4b:s3+s20], $0x40, s20, s20, $0xb8;
	[tilespmem:$0x4100] =	vst v63  }
0x1f: {  	_ =	swait.ge [sflag:s23], $0x2000  }
0x20: {  	[sflag:s23] =	ssyncset.done $0x0  }
0x21: {  	[sflag:s23] =	ssyncadd.s32 $0xFFFFE000  }
0x22: {  	[hbm4b:s17+s2] =	stream.linear.scatter [tilespmem:s21], [sflag:$0x3], $0x2000, $0x38;
	[tilespmem:$0x4100] =	vst v63  }
0x23: {  	_ =	swait.ge [sflag:s19], $0x2000  }
0x24: {  	[sflag:s19] =	ssyncset.done $0x0  }
0x25: {  	[sflag:s19] =	ssyncadd.s32 $0xFFFFE000  }
0x26: {  	_ =	swait.ge [sflag:s24], $0x2000  }
0x27: {  	[sflag:s24] =	ssyncset.done $0x0  }
0x28: {  	s28 =	sadd.s32 $0x400, s17;
	[sflag:s24] =	ssyncadd.s32 $0xFFFFE000  }
0x29: {  	[hbm4b:s28+s2] =	stream.linear.scatter [tilespmem:s22], [sflag:$0x3], $0x2000, $0x38;
	[tilespmem:$0x4100] =	vst v63  }
0x2a: {  	s29 =	simm.s32 $0x20;
	_ =	swait.ge [sflag:s19], $0x2000  }
0x2b: {  	s30 =	simm.s32 $0x40;
	s28 =	sadd.s32 $0x800, s17;
	[sflag:s19] =	ssyncset.done $0x0  }
.LBB2_2:
0x2c: {  	s31 =	sadd.s32 s29, s18  }
0x2d: {  	[sflag:s19] =	ssyncadd.s32 $0xFFFFE000;
	s29 =	smov.u32 s30;
	s0 =	sadd.s32 $0x20, s30  }
0x2e: {  	[tilespmem:s2], [sflag:$0x3] =	stream.linear.gather [hbm4b:s31+s2], $0x100, $0x38;
	[tilespmem:$0x4100] =	vst v63  }
0x2f: {  	p0 =	sne.s32 s30, $0x160;
	_ =	swait.ge [sflag:s19], $0x100  }
0x30: {  	[sflag:s19] =	ssyncset.done $0x0  }
0x31: {  	[sflag:s19] =	ssyncadd.s32 $0xFFFFFF00  }
0x32: {  	[tilespmem:s21], [sflag:$0x1] =	stream.indirect.gather [hbm4b:s3+s20], $0x40, s2, s20, $0xb8;
	[tilespmem:$0x4100] =	vst v63  }
0x33: {  	_ = 	snop  }
0x34: {  	[tilespmem:s22], [sflag:$0x2] =	stream.indirect.gather [hbm4b:s3+s20], $0x40, s20, s20, $0xb8;
	[tilespmem:$0x4100] =	vst v63  }
0x35: {  	_ =	swait.ge [sflag:s23], $0x2000  }
0x36: {  	[sflag:s23] =	ssyncset.done $0x0  }
0x37: {  	[sflag:s23] =	ssyncadd.s32 $0xFFFFE000  }
0x38: {  	[hbm4b:s28+s2] =	stream.linear.scatter [tilespmem:s21], [sflag:$0x3], $0x2000, $0x38;
	[tilespmem:$0x4100] =	vst v63  }
0x39: {  	_ =	swait.ge [sflag:s19], $0x2000  }
0x3a: {  	[sflag:s19] =	ssyncset.done $0x0  }
0x3b: {  	[sflag:s19] =	ssyncadd.s32 $0xFFFFE000  }
0x3c: {  	_ =	swait.ge [sflag:s24], $0x2000  }
.Ltmp0:
0x3d: {  	[sflag:s24] =	ssyncset.done $0x0;
	(pc) =	sbr.rel @p0 .LBB2_2-.Ltmp0, $4  }
0x3e: {  	s30 =	sadd.s32 $0x400, s28;
	[sflag:s24] =	ssyncadd.s32 $0xFFFFE000  }
0x3f: {  	[hbm4b:s30+s2] =	stream.linear.scatter [tilespmem:s22], [sflag:$0x3], $0x2000, $0x38;
	[tilespmem:$0x4100] =	vst v63  }
0x40: {  	_ =	swait.ge [sflag:s19], $0x2000  }
0x41: {  	s28 =	sadd.s32 $0x800, s28;
	s30 =	smov.u32 s0;
	[sflag:s19] =	ssyncset.done $0x0  }
0x42: {  	s0 =	sadd.s32 s29, s18;
	[sflag:s19] =	ssyncadd.s32 $0xFFFFE000  }
0x43: {  	[tilespmem:s2], [sflag:$0x3] =	stream.linear.gather [hbm4b:s0+s2], $0x100, $0x38;
	[tilespmem:$0x4100] =	vst v63  }
0x44: {  	_ =	swait.ge [sflag:s19], $0x100  }
0x45: {  	[sflag:s19] =	ssyncset.done $0x0  }
0x46: {  	[sflag:s19] =	ssyncadd.s32 $0xFFFFFF00  }
0x47: {  	[tilespmem:s21], [sflag:$0x1] =	stream.indirect.gather [hbm4b:s3+s20], $0x40, s2, s20, $0xb8;
	[tilespmem:$0x4100] =	vst v63  }
0x48: {  	_ = 	snop  }
0x49: {  	[tilespmem:s22], [sflag:$0x2] =	stream.indirect.gather [hbm4b:s3+s20], $0x40, s20, s20, $0xb8;
	[tilespmem:$0x4100] =	vst v63  }
0x4a: {  	_ =	swait.ge [sflag:s23], $0x2000  }
0x4b: {  	[sflag:s23] =	ssyncset.done $0x0  }
0x4c: {  	[sflag:s23] =	ssyncadd.s32 $0xFFFFE000  }
0x4d: {  	[hbm4b:s28+s2] =	stream.linear.scatter [tilespmem:s21], [sflag:$0x3], $0x2000, $0x38;
	[tilespmem:$0x4100] =	vst v63  }
0x4e: {  	_ =	swait.ge [sflag:s19], $0x2000  }
0x4f: {  	[sflag:s19] =	ssyncset.done $0x0  }
0x50: {  	[sflag:s19] =	ssyncadd.s32 $0xFFFFE000  }
0x51: {  	_ =	swait.ge [sflag:s24], $0x2000  }
0x52: {  	[sflag:s24] =	ssyncset.done $0x0  }
0x53: {  	s31 =	sadd.s32 $0x400, s28;
	[sflag:s24] =	ssyncadd.s32 $0xFFFFE000  }
0x54: {  	[hbm4b:s31+s2] =	stream.linear.scatter [tilespmem:s22], [sflag:$0x3], $0x2000, $0x38;
	[tilespmem:$0x4100] =	vst v63  }
0x55: {  	_ =	swait.ge [sflag:s19], $0x2000  }
0x56: {  	[sflag:s19] =	ssyncset.done $0x0  }
0x57: {  	[sflag:s19] =	ssyncadd.s32 $0xFFFFE000  }
0x58: {  	[tilespmem:s2], [sflag:$0x3] =	stream.linear.gather [hbm4b:s4+s2], $0x80, $0x38;
	[tilespmem:$0x4100] =	vst v63  }
0x59: {  	_ =	swait.ge [sflag:s19], $0x80  }
0x5a: {  	[sflag:s19] =	ssyncset.done $0x0  }
0x5b: {  	[sflag:s19] =	ssyncadd.s32 $0xFFFFFF80  }
0x5c: {  	[tilespmem:s21], [sflag:$0x1] =	stream.indirect.gather [hbm4b:s3+s20], $0x40, s2, s20, $0xb8;
	[tilespmem:$0x4100] =	vst v63  }
0x5d: {  	_ =	swait.ge [sflag:s23], $0x2000  }
0x5e: {  	[sflag:s23] =	ssyncset.done $0x0  }
0x5f: {  	[sflag:s23] =	ssyncadd.s32 $0xFFFFE000  }
0x60: {  	[hbm4b:s5+s2] =	stream.linear.scatter [tilespmem:s21], [sflag:$0x3], $0x2000, $0x38;
	[tilespmem:$0x4100] =	vst v63  }
0x61: {  	_ =	swait.ge [sflag:s19], $0x2000  }
0x62: {  	[sflag:s19] =	ssyncset.done $0x0  }
0x63: {  	[sflag:s19] =	ssyncadd.s32 $0xFFFFE000  }
0x64: {  	[tilespmem:s2], [sflag:$0x3] =	stream.linear.gather [hbm4b:s6+s2], $0x40, $0x38;
	[tilespmem:$0x4100] =	vst v63  }
0x65: {  	_ =	swait.ge [sflag:s19], $0x40  }
0x66: {  	[sflag:s19] =	ssyncset.done $0x0  }
0x67: {  	[sflag:s19] =	ssyncadd.s32 $0xFFFFFFC0  }
0x68: {  	[tilespmem:s21], [sflag:$0x1] =	stream.indirect.gather [hbm4b:s3+s25], $0x40, s2, s25, $0xb8;
	[tilespmem:$0x4100] =	vst v63  }
0x69: {  	_ =	swait.ge [sflag:s23], $0x1000  }
0x6a: {  	[sflag:s23] =	ssyncset.done $0x0  }
0x6b: {  	[sflag:s23] =	ssyncadd.s32 $0xFFFFF000  }
0x6c: {  	[hbm4b:s8+s2] =	stream.linear.scatter [tilespmem:s21], [sflag:$0x3], $0x1000, $0x38;
	[tilespmem:$0x4100] =	vst v63  }
0x6d: {  	_ =	swait.ge [sflag:s19], $0x1000  }
0x6e: {  	[sflag:s19] =	ssyncset.done $0x0  }
0x6f: {  	[sflag:s19] =	ssyncadd.s32 $0xFFFFF000  }
0x70: {  	[tilespmem:s2], [sflag:$0x3] =	stream.linear.gather [hbm4b:s9+s2], $0x40, $0x38;
	[tilespmem:$0x4100] =	vst v63  }
0x71: {  	_ =	swait.ge [sflag:s19], $0x40  }
0x72: {  	[sflag:s19] =	ssyncset.done $0x0  }
0x73: {  	[sflag:s19] =	ssyncadd.s32 $0xFFFFFFC0  }
0x74: {  	[tilespmem:s21], [sflag:$0x1] =	stream.indirect.gather [hbm4b:s3+s25], $0x40, s2, s25, $0xb8;
	[tilespmem:$0x4100] =	vst v63  }
0x75: {  	_ =	swait.ge [sflag:s23], $0x1000  }
0x76: {  	[sflag:s23] =	ssyncset.done $0x0  }
0x77: {  	[sflag:s23] =	ssyncadd.s32 $0xFFFFF000  }
0x78: {  	[hbm4b:s10+s2] =	stream.linear.scatter [tilespmem:s21], [sflag:$0x3], $0x1000, $0x38;
	[tilespmem:$0x4100] =	vst v63  }
0x79: {  	_ =	swait.ge [sflag:s19], $0x1000  }
0x7a: {  	[sflag:s19] =	ssyncset.done $0x0  }
0x7b: {  	[sflag:s19] =	ssyncadd.s32 $0xFFFFF000  }
0x7c: {  	[tilespmem:s2], [sflag:$0x3] =	stream.linear.gather [hbm4b:s11+s2], $0x40, $0x38;
	[tilespmem:$0x4100] =	vst v63  }
0x7d: {  	_ =	swait.ge [sflag:s19], $0x40  }
0x7e: {  	[sflag:s19] =	ssyncset.done $0x0  }
0x7f: {  	[sflag:s19] =	ssyncadd.s32 $0xFFFFFFC0  }
0x80: {  	[tilespmem:s21], [sflag:$0x1] =	stream.indirect.gather [hbm4b:s3+s25], $0x40, s2, s25, $0xb8;
	[tilespmem:$0x4100] =	vst v63  }
0x81: {  	_ =	swait.ge [sflag:s23], $0x1000  }
0x82: {  	[sflag:s23] =	ssyncset.done $0x0  }
0x83: {  	[sflag:s23] =	ssyncadd.s32 $0xFFFFF000  }
0x84: {  	[hbm4b:s12+s2] =	stream.linear.scatter [tilespmem:s21], [sflag:$0x3], $0x1000, $0x38;
	[tilespmem:$0x4100] =	vst v63  }
0x85: {  	_ =	swait.ge [sflag:s19], $0x1000  }
0x86: {  	[sflag:s19] =	ssyncset.done $0x0  }
0x87: {  	[sflag:s19] =	ssyncadd.s32 $0xFFFFF000  }
0x88: {  	[tilespmem:s2], [sflag:$0x3] =	stream.linear.gather [hbm4b:s13+s2], $0x40, $0x38;
	[tilespmem:$0x4100] =	vst v63  }
0x89: {  	_ =	swait.ge [sflag:s19], $0x40  }
0x8a: {  	[sflag:s19] =	ssyncset.done $0x0  }
0x8b: {  	[sflag:s19] =	ssyncadd.s32 $0xFFFFFFC0  }
0x8c: {  	[tilespmem:s21], [sflag:$0x1] =	stream.indirect.gather [hbm4b:s3+s25], $0x40, s2, s25, $0xb8;
	[tilespmem:$0x4100] =	vst v63  }
0x8d: {  	_ =	swait.ge [sflag:s23], $0x1000  }
0x8e: {  	[sflag:s23] =	ssyncset.done $0x0  }
0x8f: {  	[sflag:s23] =	ssyncadd.s32 $0xFFFFF000  }
0x90: {  	[hbm4b:s14+s2] =	stream.linear.scatter [tilespmem:s21], [sflag:$0x3], $0x1000, $0x38;
	[tilespmem:$0x4100] =	vst v63  }
0x91: {  	_ =	swait.ge [sflag:s19], $0x1000  }
0x92: {  	[sflag:s19] =	ssyncset.done $0x0  }
0x93: {  	[sflag:s19] =	ssyncadd.s32 $0xFFFFF000  }
0x94: {  	[tilespmem:s2], [sflag:$0x3] =	stream.linear.gather [hbm4b:s15+s2], $0x40, $0x38;
	[tilespmem:$0x4100] =	vst v63  }
0x95: {  	_ =	swait.ge [sflag:s19], $0x40  }
0x96: {  	[sflag:s19] =	ssyncset.done $0x0  }
0x97: {  	[sflag:s19] =	ssyncadd.s32 $0xFFFFFFC0  }
0x98: {  	[tilespmem:s21], [sflag:$0x1] =	stream.indirect.gather [hbm4b:s3+s25], $0x40, s2, s25, $0xb8;
	[tilespmem:$0x4100] =	vst v63  }
0x99: {  	s26 =	sadd.s32 $0x1, s26;
	_ =	swait.ge [sflag:s23], $0x1000  }
0x9a: {  	p0 =	sne.s32 s26, s7;
	[sflag:s23] =	ssyncset.done $0x0  }
.Ltmp1:
0x9b: {  	[sflag:s23] =	ssyncadd.s32 $0xFFFFF000;
	(pc) =	sbr.rel @p0 .LBB2_1-.Ltmp1, $4  }
0x9c: {  	[hbm4b:s16+s2] =	stream.linear.scatter [tilespmem:s21], [sflag:$0x3], $0x1000, $0x38;
	[tilespmem:$0x4100] =	vst v63  }
0x9d: {  	_ =	swait.ge [sflag:s19], $0x1000  }
0x9e: {  	[sflag:s19] =	ssyncset.done $0x0  }
0x9f: {  	[sflag:s19] =	ssyncadd.s32 $0xFFFFF000  }
0xa0: {  	_ =	sfence.sel $0x180000  }
0xa1: {  	[bflag:$0x0] =	sbarrier.arrive $0xFFFF  }
0xa2: {  	_ =	strace $0x9000004D  }
0xa3: {  	[bflag:$0x2] =	sbarrier.arrive $0xFFFF  }
0xa4: {  	p0 =	sne.s32 s1, $0x0;
	s0 =	rddreg [dreg:$0x1]  }
0xa5: {  	s0 =	sadd.s32 @!p0 $0x100000, s0  }
0xa6: {  	[sflag:s0] =	ssyncadd.tile.s32 @!p0 $0x1;
	_ =	shalt  }
.Lfunc_end2:
_tile_overlayer_lowered:
.L_overlay_start_2:
0xa7: {  	(tag) =	ssettag $0x2  }
0xa8: {  	s0 =	rddreg [dreg:$0x0];
	s2 =	stileid.u32  }
0xa9: {  	s1 =	rddreg [dreg:$0x1];
	p0 =	sne.s32 s2, $0x0  }
0xaa: {  	s3 =	rddreg [dreg:$0x2];
	[bflag:$0x3] =	sbarrier.arrive $0xFFFF;
	s2 =	simm.s32 @!p0 $0x1C03  }
0xab: {  	[timem:s3], [sflag:s2] =	dma.local @!p0 [hbm:s0], s1  }
0xac: {  	s0 =	simm.s32 @!p0 $0x3  }
0xad: {  	_ =	swait.ge @!p0 [sflag:s0], s1  }
0xae: {  	s1 =	ssub.s32 @!p0 $0x0, s1;
	[sflag:s0] =	ssyncset.done @!p0 $0x0  }
0xaf: {  	[sflag:s0] =	ssyncadd.s32 @!p0 s1  }
0xb0: {  	[bflag:$0x3] =	sbarrier.arrive $0xFFFF  }
0xb1: {  	_ =	shalt  }

// kernel: kernel.9.cloned.1.call-start
scs
__scs_entry_jumppad:
0x0: {  	(pc) =	sbr.rel $0x88, $3  }
0x1: {  	(tag) =	ssettag $0x0;
	lr =	simm.s32 $0x1  }
0x2: {  	[smem:$0x3F9D] =	sst lr;
	_ =	strace $0xD0000000  }
0x3: {  	_ = 	snop  }
0x4: {  	_ = 	snop  }
0x5: {  	_ = 	snop  }
0x6: {  	_ = 	snop  }
0x7: {  	_ = 	snop  }
__scs_overlays_trampoline_lowered:
0x8: {  	[smem:$0x3FAC] =	sst s0  }
0x9: {  	[smem:$0x3FAD] =	sst s1  }
0xa: {  	[smem:$0x3FAE] =	sst s2  }
0xb: {  	[smem:$0x3FAF] =	sst s3  }
0xc: {  	[smem:$0x3FB0] =	sst s4  }
0xd: {  	[smem:$0x3FB1] =	sst s5  }
0xe: {  	[smem:$0x3FB2] =	sst s6  }
0xf: {  	[smem:$0x3FB3] =	sst s7  }
0x10: {  	[smem:$0x3FB4] =	sst s8  }
0x11: {  	[smem:$0x3FB5] =	sst s9;
	s0 =	simm.s32 @!p0 $0x0  }
0x12: {  	s1 =	sld [smem:$0x3F9B];
	s0 =	simm.s32 @p0 $0x1  }
0x13: {  	[smem:$0x3FB6] =	sst s0;
	s0 =	simm.s32 @!p1 $0x0  }
0x14: {  	s2 =	sld [smem:$0x3F9A];
	s0 =	simm.s32 @p1 $0x1  }
0x15: {  	[smem:$0x3FB7] =	sst s0;
	s0 =	simm.s32 @!p2 $0x0  }
0x16: {  	s3 =	sld [smem:$0x3FDB];
	s0 =	simm.s32 @p2 $0x1  }
0x17: {  	s4 =	simm.s32 $0x1BF5;
	[smem:$0x3FB9] =	sst s0  }
0x18: {  	s0 =	sld [smem:$0x3F9C];
	_ =	swait.ge [sflag:s4], $0x0  }
0x19: {  	s7 =	sld [smem:$0x3F9D]  }
0x1a: {  	s8 =	sadd.s32 $0xFFFFE003, lr  }
0x1b: {  	s9 =	sadd.s32 $0xFFFFFEF7, lr;
	s5 =	simm.s32 $0xFFFFFFFF;
	p2 =	slt.u32 s8, $0xFFFFF086  }
0x1c: {  	p1 =	slt.u32 s9, $0xF7A;
	s5 =	simm.s32 @!p2 $0x0  }
0x1d: {  	s5 =	simm.s32 @p1 $0x1;
	p0 =	seq.s32 s7, s2  }
0x1e: {  	s7 =	smul.u32 @!p0 $0xF7A, s2;
	p2 =	seq.s32 @!p0 s5, $0x0  }
0x1f: {  	s9 =	smul.u32 $0xF7A, s1;
	s8 =	simm.s32 @!p0 $0x1BF5;
	p2 =	por !p2, p0  }
0x20: {  	[sflag:s8] =	ssyncset.s32 @!p0 $0xFFFFF086;
	s6 =	sadd.s32 @!p0 s3, s7;
	s7 =	simm.s32 @!p0 $0x108  }
0x21: {  	s3 =	sadd.s32 s3, s9;
	s6 =	sadd.s32 @!p0 $0x88, s6;
	s7 =	simm.s32 @p2 $0x1082  }
0x22: {  	[simem:s7], [sflag:s8] =	dma.local @!p0 [hbm:s6], $0xF7A  }
0x23: {  	s9 =	sor.u32 $0xD0000000, s2;
	s6 =	simm.s32 $0x108;
	_ =	swait.ge @!p0 [sflag:s8], $0x0  }
0x24: {  	s3 =	sadd.s32 $0x88, s3;
	s6 =	simm.s32 @!p1 $0x1082;
	[sflag:s4] =	ssyncset.s32 $0xFFFFF086  }
0x25: {  	[simem:s6], [sflag:s4] =	dma.local [hbm:s3], $0xF7A  }
0x26: {  	[smem:$0x3F9D] =	sst s1;
	(tag) =	ssettag s2;
	_ =	strace s9  }
0x27: {  	s1 =	sld [smem:$0x3FAD]  }
0x28: {  	s2 =	sld [smem:$0x3FAE]  }
0x29: {  	s4 =	sld [smem:$0x3FB0]  }
0x2a: {  	p0 =	seq.s32 s5, $0x0;
	s5 =	sld [smem:$0x3FB1]  }
0x2b: {  	s6 =	sld [smem:$0x3FB2]  }
0x2c: {  	s7 =	sld [smem:$0x3FB3]  }
0x2d: {  	s3 =	simm.s32 $0x108;
	s8 =	sld [smem:$0x3FB4]  }
0x2e: {  	s3 =	simm.s32 @!p0 $0x1082;
	s9 =	sld [smem:$0x3FB5]  }
0x2f: {  	lr =	sadd.s32 s0, s3;
	s0 =	sld [smem:$0x3FAC]  }
0x30: {  	s3 =	sld [smem:$0x3FAF]  }
0x31: {  	[smem:$0x3FB8] =	sst s10  }
0x32: {  	s10 =	sld [smem:$0x3FB6];
	_ =	sdelay $0x3  }
0x33: {  	p0 =	seq.s32 s10, $0x1;
	s10 =	sld [smem:$0x3FB8];
	_ =	sdelay $0x3  }
0x34: {  	[smem:$0x3FB8] =	sst s10  }
0x35: {  	s10 =	sld [smem:$0x3FB7];
	_ =	sdelay $0x3  }
0x36: {  	p1 =	seq.s32 s10, $0x1;
	s10 =	sld [smem:$0x3FB8];
	_ =	sdelay $0x3  }
0x37: {  	[smem:$0x3FB8] =	sst s10  }
0x38: {  	s10 =	sld [smem:$0x3FB9]  }
0x39: {  	_ = 	snop;
	(pc) =	sbr.ind lr, $3  }
0x3a: {  	_ = 	snop  }
0x3b: {  	_ = 	snop  }
0x3c: {  	p2 =	seq.s32 s10, $0x1;
	s10 =	sld [smem:$0x3FB8]  }
0x3d: {  	_ =	shalt  }
0x3e: {  	_ =	shalt  }
0x3f: {  	_ =	shalt  }
0x40: {  	_ =	shalt  }
0x41: {  	_ =	shalt  }
0x42: {  	_ =	shalt  }
0x43: {  	_ =	shalt  }
0x44: {  	_ =	shalt  }
0x45: {  	_ =	shalt  }
0x46: {  	_ =	shalt  }
0x47: {  	_ =	shalt  }
0x48: {  	_ =	shalt  }
0x49: {  	_ =	shalt  }
0x4a: {  	_ =	shalt  }
0x4b: {  	_ =	shalt  }
0x4c: {  	_ =	shalt  }
0x4d: {  	_ =	shalt  }
0x4e: {  	_ =	shalt  }
0x4f: {  	_ =	shalt  }
0x50: {  	_ =	shalt  }
0x51: {  	_ =	shalt  }
0x52: {  	_ =	shalt  }
0x53: {  	_ =	shalt  }
0x54: {  	_ =	shalt  }
0x55: {  	_ =	shalt  }
0x56: {  	_ =	shalt  }
0x57: {  	_ =	shalt  }
0x58: {  	_ =	shalt  }
0x59: {  	_ =	shalt  }
0x5a: {  	_ =	shalt  }
0x5b: {  	_ =	shalt  }
0x5c: {  	_ =	shalt  }
0x5d: {  	_ =	shalt  }
0x5e: {  	_ =	shalt  }
0x5f: {  	_ =	shalt  }
0x60: {  	_ =	shalt  }
0x61: {  	_ =	shalt  }
0x62: {  	_ =	shalt  }
0x63: {  	_ =	shalt  }
0x64: {  	_ =	shalt  }
0x65: {  	_ =	shalt  }
0x66: {  	_ =	shalt  }
0x67: {  	_ =	shalt  }
0x68: {  	_ =	shalt  }
0x69: {  	_ =	shalt  }
0x6a: {  	_ =	shalt  }
0x6b: {  	_ =	shalt  }
0x6c: {  	_ =	shalt  }
0x6d: {  	_ =	shalt  }
0x6e: {  	_ =	shalt  }
0x6f: {  	_ =	shalt  }
0x70: {  	_ =	shalt  }
0x71: {  	_ =	shalt  }
0x72: {  	_ =	shalt  }
0x73: {  	_ =	shalt  }
0x74: {  	_ =	shalt  }
0x75: {  	_ =	shalt  }
0x76: {  	_ =	shalt  }
0x77: {  	_ =	shalt  }
0x78: {  	_ =	shalt  }
0x79: {  	_ =	shalt  }
0x7a: {  	_ =	shalt  }
0x7b: {  	_ =	shalt  }
0x7c: {  	_ =	shalt  }
0x7d: {  	_ =	shalt  }
0x7e: {  	_ =	shalt  }
0x7f: {  	_ =	shalt  }
0x80: {  	_ =	shalt  }
0x81: {  	_ =	shalt  }
0x82: {  	_ =	shalt  }
0x83: {  	_ =	shalt  }
0x84: {  	_ =	shalt  }
0x85: {  	_ =	shalt  }
0x86: {  	_ =	shalt  }
0x87: {  	_ =	shalt  }
.Lfunc_end0:
.L_simem_size_0:
called_computation.2_lowered:
.L_overlay_start_0:
0x88: {  	s2 =	sld [smem:$0x3FD9]  }
0x89: {  	s3 =	sld [smem:$0x3FFE];
	_ =	sdelay $0x1  }
0x8a: {  	s1 =	srdreg.scid  }
0x8b: {  	s0 =	sand.u32 $0x1, s1  }
0x8c: {  	s16 =	sshll.u32 s0, $0xA;
	s2 =	sadd.s32 s3, s2  }
0x8d: {  	s2 =	sadd.s32 s2, s16  }
0x8e: {  	[smem:$0x3FC4] =	sst s2  }
0x8f: {  	_ = 	snop  }
0x90: {  	(tm) =	ssettm $0x1  }
0x91: {  	s17 =	sld [smem:$0x3FFB];
	_ =	sdelay $0x3  }
0x92: {  	_ =	strace s17  }
0x93: {  	s2 =	sld [smem:$0x3FFC];
	_ =	sdelay $0x3  }
0x94: {  	_ =	strace s2  }
0x95: {  	s2 =	sld [smem:$0x3FFD];
	_ =	sdelay $0x3  }
0x96: {  	_ =	strace s2  }
0x97: {  	_ =	strace $0x8FFFFFFF  }
0x98: {  	s18 =	sld [smem:$0x3FDB];
	_ =	sdelay $0x1  }
0x99: {  	s19 =	simm.s32 $_scs_section_size  }
0x9a: {  	s4 =	simm.s32 $_size__tile_overlayer_lowered;
	s5 =	simm.s32 $_tile_overlayer_lowered  }
0x9b: {  	s22 =	simm.s32 $0x1BFF;
	s21 =	sshll.u32 s5, $0x1;
	s2 =	sadd.s32 s19, s18  }
0x9c: {  	s6 =	simm.s32 $0x0;
	s20 =	sshll.u32 s4, $0x1;
	s4 =	sadd.s32 s21, s2  }
0x9d: {  	[timem:s6], [sflag:s22] =	dma.local [hbm:s4], s20  }
0x9e: {  	_ =	swait.ge [sflag:s22], s20  }
0x9f: {  	s3 =	ssub.s32 $0x0, s20;
	[sflag:s22] =	ssyncset.done $0x0  }
0xa0: {  	[sflag:s22] =	ssyncadd.s32 s3;
	_ =	sdelay $0x1  }
0xa1: {  	s23 =	simm.s32 $0x1B8B  }
0xa2: {  	_ =	swait.ge [sflag:s23], $0x1  }
0xa3: {  	[sflag:s23] =	ssyncset.done $0x0  }
0xa4: {  	s25 =	simm.s32 $0x1B8E;
	s24 =	sld [smem:$0x3FFE];
	[sflag:s23] =	ssyncadd.s32 $0xFFFFFFFF  }
0xa5: {  	s26 =	simm.s32 $execute0_lowered;
	[smem:$0x3FD2] =	sst s25  }
0xa6: {  	s4 =	sshll.u32 s26, $0x1;
	_ =	strace $0x80000049;
	[dreg:$0x1] =	wrdreg $0xFFFFFFFF  }
0xa7: {  	s28 =	simm.s32 $_size_execute0_lowered;
	s2 =	sadd.s32 s2, s4;
	[dreg:$0x0] =	wrdreg $0x0  }
0xa8: {  	s4 =	sshll.u32 s28, $0x1;
	[dreg:$0x2] =	wrdreg s2  }
0xa9: {  	[dreg:$0x3] =	wrdreg s4  }
0xaa: {  	[dreg:$0x4] =	wrdreg $0xC0  }
0xab: {  	_ =	task [dreg:s6], $0x5FFFF  }
0xac: {  	[dreg:$0x1] =	wrdreg $0xFFFFFFFF  }
0xad: {  	[dreg:$0x0] =	wrdreg $0x60  }
0xae: {  	[dreg:$0x2] =	wrdreg s24  }
0xaf: {  	[dreg:$0x3] =	wrdreg $0xA  }
0xb0: {  	_ =	task.clear_ibuf [dreg:s6], $0x4FFFF;
	_ =	strace $0x90000049  }
0xb1: {  	s29 =	simm.s32 $0xA;
	_ =	strace $0x8000004B  }
0xb2: {  	_ =	swait.ge [sflag:s29], $0x1  }
0xb3: {  	[sflag:s29] =	ssyncadd.s32 $0xFFFFFFFF  }
0xb4: {  	_ =	strace $0x9000004B  }
0xb5: {  	_ =	sfence  }
0xb6: {  	s30 =	sld [smem:$0x0];
	_ =	sdelay $0x2  }
0xb7: {  	s31 =	sshll.u32 s1, $0xD;
	s1 =	sshrl.u32 s1, $0x2  }
0xb8: {  	s3 =	sand.u32 $0x4000, s31;
	s1 =	sadd.s32 s1, s30  }
0xb9: {  	s0 =	sor.u32 s3, s0;
	s1 =	sshll.u32 s1, $0x11  }
0xba: {  	s0 =	sor.u32 s1, s0  }
0xbb: {  	s0 =	sadd.s32 $0x8F2B, s0  }
0xbc: {  	[sflag:s0] =	ssyncadd.remote.s32 $0x1  }
0xbd: {  	_ =	sfence.sel $0xFFFF  }
0xbe: {  	[dreg:$0x0] =	wrdreg $0xFFFFFFFF;
	(pc) =	sbr.abs _section_cstart, $3  }
0xbf: {  	[dreg:$0x1] =	wrdreg $0xFFFFFFFF  }
0xc0: {  	_ =	task.clear_ibuf [dreg:s6], $0x2FFFF;
	_ =	strace $0x9FFFFFFF  }
0xc1: {  	(tm) =	ssettm $0x7FFFFFFF  }
tec
execute0_lowered:
.L_overlay_start_1:
0x0: {  	(tag) =	ssettag $0x1  }
0x1: {  	s4 =	rddreg [dreg:$0x0];
	s2 =	simm.s32 $0x0;
	s3 =	srdreg.scid  }
0x2: {  	s1 =	stileid.u32;
	[smem:$0x7FF] =	sst s2;
	s16 =	sand.u32 $0x1, s3  }
0x3: {  	s20 =	sshll.u32 s1, $0x1;
	s3 =	sadd.s32 $0x2000, s4;
	s18 =	sadd.s32 $0x16E5800, s4  }
0x4: {  	s15 =	sadd.s32 $0x16E8A00, s4;
	s5 =	sor.u32 s16, s20;
	s28 =	smul.u32 $0x6400, s16  }
0x5: {  	s17 =	sadd.s32 $0x7A3200, s4;
	s7 =	ssub.s32 $0x2, s16;
	s6 =	smul.u32 $0xC80, s5  }
0x6: {  	s19 =	sadd.s32 $0x86B200, s4;
	s8 =	sshrl.u32 s7, $0x1;
	s14 =	smul.u32 $0x140, s5  }
0x7: {  	_ =	strace $0x8000004A;
	s9 =	smul.u32 $0xA00, s5;
	s7 =	ssub.s32 s7, s8  }
0x8: {  	s6 =	sadd.s32 $0xC00, s6;
	s22 =	sshrl.u32 s14, $0x3;
	s7 =	smax.u32 s7, $0x1  }
0x9: {  	s8 =	sadd.s32 s19, s9;
	s23 =	sadd.s32 $0x40, s14;
	s12 =	sadd.s32 $0x80, s14  }
0xa: {  	s20 =	sadd.s32 $0xC0, s14;
	s21 =	sshrl.u32 s6, $0x3;
	s6 =	sshll.u32 s6, $0x3  }
0xb: {  	s10 =	sshrl.u32 s23, $0x3;
	s11 =	sshll.u32 s23, $0x3;
	s24 =	sshrl.u32 s12, $0x3  }
0xc: {  	s12 =	sshll.u32 s12, $0x3;
	s13 =	sshrl.u32 s20, $0x3;
	s23 =	smul.u32 $0x1900, s1  }
0xd: {  	s25 =	sshll.u32 s20, $0x3;
	s20 =	simm.s32 $0x80;
	s4 =	sadd.s32 s18, s21  }
0xe: {  	s5 =	sadd.s32 s17, s6;
	s6 =	sadd.s32 s15, s22;
	s9 =	sadd.s32 s15, s10  }
0xf: {  	s10 =	sadd.s32 s19, s11;
	s11 =	sadd.s32 s15, s24;
	s12 =	sadd.s32 s19, s12  }
0x10: {  	s21 =	smul.u32 $0xC800, s1;
	s13 =	sadd.s32 s15, s13;
	s22 =	sadd.s32 $0x100, s14  }
0x11: {  	s24 =	smul.u32 $0xC80, s16;
	s14 =	sadd.s32 s19, s25;
	s25 =	simm.s32 $0x40  }
0x12: {  	s26 =	sshrl.u32 s22, $0x3;
	s29 =	sshll.u32 s22, $0x3;
	s22 =	simm.s32 $0x2100  }
0x13: {  	s15 =	sadd.s32 s15, s26;
	s17 =	sadd.s32 s21, s17;
	s30 =	sadd.s32 s24, s23  }
0x14: {  	s16 =	sadd.s32 s19, s29;
	s19 =	simm.s32 $0x3;
	s21 =	simm.s32 $0x100  }
0x15: {  	s23 =	simm.s32 $0x1;
	s24 =	simm.s32 $0x2;
	s31 =	sshrl.u32 s30, $0x3  }
0x16: {  	s26 =	simm.s32 $0x0;
	s17 =	sadd.s32 s28, s17;
	s18 =	sadd.s32 s31, s18  }
.LBB2_1:
0x17: {  	s28 =	sadd.s32 $0x0, s18  }
0x18: {  	[tilespmem:s2], [sflag:$0x3] =	stream.linear.gather [hbm4b:s28+s2], $0x100, $0x38;
	[tilespmem:$0x4100] =	vst v63  }
0x19: {  	_ =	swait.ge [sflag:s19], $0x100  }
0x1a: {  	[sflag:s19] =	ssyncset.done $0x0  }
0x1b: {  	[sflag:s19] =	ssyncadd.s32 $0xFFFFFF00  }
0x1c: {  	[tilespmem:s21], [sflag:$0x1] =	stream.indirect.gather [hbm4b:s3+s20], $0x40, s2, s20, $0xb8;
	[tilespmem:$0x4100] =	vst v63  }
0x1d: {  	_ = 	snop  }
0x1e: {  	[tilespmem:s22], [sflag:$0x2] =	stream.indirect.gather [hbm4b:s3+s20], $0x40, s20, s20, $0xb8;
	[tilespmem:$0x4100] =	vst v63  }
0x1f: {  	_ =	swait.ge [sflag:s23], $0x2000  }
0x20: {  	[sflag:s23] =	ssyncset.done $0x0  }
0x21: {  	[sflag:s23] =	ssyncadd.s32 $0xFFFFE000  }
0x22: {  	[hbm4b:s17+s2] =	stream.linear.scatter [tilespmem:s21], [sflag:$0x3], $0x2000, $0x38;
	[tilespmem:$0x4100] =	vst v63  }
0x23: {  	_ =	swait.ge [sflag:s19], $0x2000  }
0x24: {  	[sflag:s19] =	ssyncset.done $0x0  }
0x25: {  	[sflag:s19] =	ssyncadd.s32 $0xFFFFE000  }
0x26: {  	_ =	swait.ge [sflag:s24], $0x2000  }
0x27: {  	[sflag:s24] =	ssyncset.done $0x0  }
0x28: {  	s28 =	sadd.s32 $0x400, s17;
	[sflag:s24] =	ssyncadd.s32 $0xFFFFE000  }
0x29: {  	[hbm4b:s28+s2] =	stream.linear.scatter [tilespmem:s22], [sflag:$0x3], $0x2000, $0x38;
	[tilespmem:$0x4100] =	vst v63  }
0x2a: {  	s29 =	simm.s32 $0x20;
	_ =	swait.ge [sflag:s19], $0x2000  }
0x2b: {  	s30 =	simm.s32 $0x40;
	s28 =	sadd.s32 $0x800, s17;
	[sflag:s19] =	ssyncset.done $0x0  }
.LBB2_2:
0x2c: {  	s31 =	sadd.s32 s29, s18  }
0x2d: {  	[sflag:s19] =	ssyncadd.s32 $0xFFFFE000;
	s29 =	smov.u32 s30;
	s0 =	sadd.s32 $0x20, s30  }
0x2e: {  	[tilespmem:s2], [sflag:$0x3] =	stream.linear.gather [hbm4b:s31+s2], $0x100, $0x38;
	[tilespmem:$0x4100] =	vst v63  }
0x2f: {  	p0 =	sne.s32 s30, $0x160;
	_ =	swait.ge [sflag:s19], $0x100  }
0x30: {  	[sflag:s19] =	ssyncset.done $0x0  }
0x31: {  	[sflag:s19] =	ssyncadd.s32 $0xFFFFFF00  }
0x32: {  	[tilespmem:s21], [sflag:$0x1] =	stream.indirect.gather [hbm4b:s3+s20], $0x40, s2, s20, $0xb8;
	[tilespmem:$0x4100] =	vst v63  }
0x33: {  	_ = 	snop  }
0x34: {  	[tilespmem:s22], [sflag:$0x2] =	stream.indirect.gather [hbm4b:s3+s20], $0x40, s20, s20, $0xb8;
	[tilespmem:$0x4100] =	vst v63  }
0x35: {  	_ =	swait.ge [sflag:s23], $0x2000  }
0x36: {  	[sflag:s23] =	ssyncset.done $0x0  }
0x37: {  	[sflag:s23] =	ssyncadd.s32 $0xFFFFE000  }
0x38: {  	[hbm4b:s28+s2] =	stream.linear.scatter [tilespmem:s21], [sflag:$0x3], $0x2000, $0x38;
	[tilespmem:$0x4100] =	vst v63  }
0x39: {  	_ =	swait.ge [sflag:s19], $0x2000  }
0x3a: {  	[sflag:s19] =	ssyncset.done $0x0  }
0x3b: {  	[sflag:s19] =	ssyncadd.s32 $0xFFFFE000  }
0x3c: {  	_ =	swait.ge [sflag:s24], $0x2000  }
.Ltmp0:
0x3d: {  	[sflag:s24] =	ssyncset.done $0x0;
	(pc) =	sbr.rel @p0 .LBB2_2-.Ltmp0, $4  }
0x3e: {  	s30 =	sadd.s32 $0x400, s28;
	[sflag:s24] =	ssyncadd.s32 $0xFFFFE000  }
0x3f: {  	[hbm4b:s30+s2] =	stream.linear.scatter [tilespmem:s22], [sflag:$0x3], $0x2000, $0x38;
	[tilespmem:$0x4100] =	vst v63  }
0x40: {  	_ =	swait.ge [sflag:s19], $0x2000  }
0x41: {  	s28 =	sadd.s32 $0x800, s28;
	s30 =	smov.u32 s0;
	[sflag:s19] =	ssyncset.done $0x0  }
0x42: {  	s0 =	sadd.s32 s29, s18;
	[sflag:s19] =	ssyncadd.s32 $0xFFFFE000  }
0x43: {  	[tilespmem:s2], [sflag:$0x3] =	stream.linear.gather [hbm4b:s0+s2], $0x100, $0x38;
	[tilespmem:$0x4100] =	vst v63  }
0x44: {  	_ =	swait.ge [sflag:s19], $0x100  }
0x45: {  	[sflag:s19] =	ssyncset.done $0x0  }
0x46: {  	[sflag:s19] =	ssyncadd.s32 $0xFFFFFF00  }
0x47: {  	[tilespmem:s21], [sflag:$0x1] =	stream.indirect.gather [hbm4b:s3+s20], $0x40, s2, s20, $0xb8;
	[tilespmem:$0x4100] =	vst v63  }
0x48: {  	_ = 	snop  }
0x49: {  	[tilespmem:s22], [sflag:$0x2] =	stream.indirect.gather [hbm4b:s3+s20], $0x40, s20, s20, $0xb8;
	[tilespmem:$0x4100] =	vst v63  }
0x4a: {  	_ =	swait.ge [sflag:s23], $0x2000  }
0x4b: {  	[sflag:s23] =	ssyncset.done $0x0  }
0x4c: {  	[sflag:s23] =	ssyncadd.s32 $0xFFFFE000  }
0x4d: {  	[hbm4b:s28+s2] =	stream.linear.scatter [tilespmem:s21], [sflag:$0x3], $0x2000, $0x38;
	[tilespmem:$0x4100] =	vst v63  }
0x4e: {  	_ =	swait.ge [sflag:s19], $0x2000  }
0x4f: {  	[sflag:s19] =	ssyncset.done $0x0  }
0x50: {  	[sflag:s19] =	ssyncadd.s32 $0xFFFFE000  }
0x51: {  	_ =	swait.ge [sflag:s24], $0x2000  }
0x52: {  	[sflag:s24] =	ssyncset.done $0x0  }
0x53: {  	s31 =	sadd.s32 $0x400, s28;
	[sflag:s24] =	ssyncadd.s32 $0xFFFFE000  }
0x54: {  	[hbm4b:s31+s2] =	stream.linear.scatter [tilespmem:s22], [sflag:$0x3], $0x2000, $0x38;
	[tilespmem:$0x4100] =	vst v63  }
0x55: {  	_ =	swait.ge [sflag:s19], $0x2000  }
0x56: {  	[sflag:s19] =	ssyncset.done $0x0  }
0x57: {  	[sflag:s19] =	ssyncadd.s32 $0xFFFFE000  }
0x58: {  	[tilespmem:s2], [sflag:$0x3] =	stream.linear.gather [hbm4b:s4+s2], $0x80, $0x38;
	[tilespmem:$0x4100] =	vst v63  }
0x59: {  	_ =	swait.ge [sflag:s19], $0x80  }
0x5a: {  	[sflag:s19] =	ssyncset.done $0x0  }
0x5b: {  	[sflag:s19] =	ssyncadd.s32 $0xFFFFFF80  }
0x5c: {  	[tilespmem:s21], [sflag:$0x1] =	stream.indirect.gather [hbm4b:s3+s20], $0x40, s2, s20, $0xb8;
	[tilespmem:$0x4100] =	vst v63  }
0x5d: {  	_ =	swait.ge [sflag:s23], $0x2000  }
0x5e: {  	[sflag:s23] =	ssyncset.done $0x0  }
0x5f: {  	[sflag:s23] =	ssyncadd.s32 $0xFFFFE000  }
0x60: {  	[hbm4b:s5+s2] =	stream.linear.scatter [tilespmem:s21], [sflag:$0x3], $0x2000, $0x38;
	[tilespmem:$0x4100] =	vst v63  }
0x61: {  	_ =	swait.ge [sflag:s19], $0x2000  }
0x62: {  	[sflag:s19] =	ssyncset.done $0x0  }
0x63: {  	[sflag:s19] =	ssyncadd.s32 $0xFFFFE000  }
0x64: {  	[tilespmem:s2], [sflag:$0x3] =	stream.linear.gather [hbm4b:s6+s2], $0x40, $0x38;
	[tilespmem:$0x4100] =	vst v63  }
0x65: {  	_ =	swait.ge [sflag:s19], $0x40  }
0x66: {  	[sflag:s19] =	ssyncset.done $0x0  }
0x67: {  	[sflag:s19] =	ssyncadd.s32 $0xFFFFFFC0  }
0x68: {  	[tilespmem:s21], [sflag:$0x1] =	stream.indirect.gather [hbm4b:s3+s25], $0x40, s2, s25, $0xb8;
	[tilespmem:$0x4100] =	vst v63  }
0x69: {  	_ =	swait.ge [sflag:s23], $0x1000  }
0x6a: {  	[sflag:s23] =	ssyncset.done $0x0  }
0x6b: {  	[sflag:s23] =	ssyncadd.s32 $0xFFFFF000  }
0x6c: {  	[hbm4b:s8+s2] =	stream.linear.scatter [tilespmem:s21], [sflag:$0x3], $0x1000, $0x38;
	[tilespmem:$0x4100] =	vst v63  }
0x6d: {  	_ =	swait.ge [sflag:s19], $0x1000  }
0x6e: {  	[sflag:s19] =	ssyncset.done $0x0  }
0x6f: {  	[sflag:s19] =	ssyncadd.s32 $0xFFFFF000  }
0x70: {  	[tilespmem:s2], [sflag:$0x3] =	stream.linear.gather [hbm4b:s9+s2], $0x40, $0x38;
	[tilespmem:$0x4100] =	vst v63  }
0x71: {  	_ =	swait.ge [sflag:s19], $0x40  }
0x72: {  	[sflag:s19] =	ssyncset.done $0x0  }
0x73: {  	[sflag:s19] =	ssyncadd.s32 $0xFFFFFFC0  }
0x74: {  	[tilespmem:s21], [sflag:$0x1] =	stream.indirect.gather [hbm4b:s3+s25], $0x40, s2, s25, $0xb8;
	[tilespmem:$0x4100] =	vst v63  }
0x75: {  	_ =	swait.ge [sflag:s23], $0x1000  }
0x76: {  	[sflag:s23] =	ssyncset.done $0x0  }
0x77: {  	[sflag:s23] =	ssyncadd.s32 $0xFFFFF000  }
0x78: {  	[hbm4b:s10+s2] =	stream.linear.scatter [tilespmem:s21], [sflag:$0x3], $0x1000, $0x38;
	[tilespmem:$0x4100] =	vst v63  }
0x79: {  	_ =	swait.ge [sflag:s19], $0x1000  }
0x7a: {  	[sflag:s19] =	ssyncset.done $0x0  }
0x7b: {  	[sflag:s19] =	ssyncadd.s32 $0xFFFFF000  }
0x7c: {  	[tilespmem:s2], [sflag:$0x3] =	stream.linear.gather [hbm4b:s11+s2], $0x40, $0x38;
	[tilespmem:$0x4100] =	vst v63  }
0x7d: {  	_ =	swait.ge [sflag:s19], $0x40  }
0x7e: {  	[sflag:s19] =	ssyncset.done $0x0  }
0x7f: {  	[sflag:s19] =	ssyncadd.s32 $0xFFFFFFC0  }
0x80: {  	[tilespmem:s21], [sflag:$0x1] =	stream.indirect.gather [hbm4b:s3+s25], $0x40, s2, s25, $0xb8;
	[tilespmem:$0x4100] =	vst v63  }
0x81: {  	_ =	swait.ge [sflag:s23], $0x1000  }
0x82: {  	[sflag:s23] =	ssyncset.done $0x0  }
0x83: {  	[sflag:s23] =	ssyncadd.s32 $0xFFFFF000  }
0x84: {  	[hbm4b:s12+s2] =	stream.linear.scatter [tilespmem:s21], [sflag:$0x3], $0x1000, $0x38;
	[tilespmem:$0x4100] =	vst v63  }
0x85: {  	_ =	swait.ge [sflag:s19], $0x1000  }
0x86: {  	[sflag:s19] =	ssyncset.done $0x0  }
0x87: {  	[sflag:s19] =	ssyncadd.s32 $0xFFFFF000  }
0x88: {  	[tilespmem:s2], [sflag:$0x3] =	stream.linear.gather [hbm4b:s13+s2], $0x40, $0x38;
	[tilespmem:$0x4100] =	vst v63  }
0x89: {  	_ =	swait.ge [sflag:s19], $0x40  }
0x8a: {  	[sflag:s19] =	ssyncset.done $0x0  }
0x8b: {  	[sflag:s19] =	ssyncadd.s32 $0xFFFFFFC0  }
0x8c: {  	[tilespmem:s21], [sflag:$0x1] =	stream.indirect.gather [hbm4b:s3+s25], $0x40, s2, s25, $0xb8;
	[tilespmem:$0x4100] =	vst v63  }
0x8d: {  	_ =	swait.ge [sflag:s23], $0x1000  }
0x8e: {  	[sflag:s23] =	ssyncset.done $0x0  }
0x8f: {  	[sflag:s23] =	ssyncadd.s32 $0xFFFFF000  }
0x90: {  	[hbm4b:s14+s2] =	stream.linear.scatter [tilespmem:s21], [sflag:$0x3], $0x1000, $0x38;
	[tilespmem:$0x4100] =	vst v63  }
0x91: {  	_ =	swait.ge [sflag:s19], $0x1000  }
0x92: {  	[sflag:s19] =	ssyncset.done $0x0  }
0x93: {  	[sflag:s19] =	ssyncadd.s32 $0xFFFFF000  }
0x94: {  	[tilespmem:s2], [sflag:$0x3] =	stream.linear.gather [hbm4b:s15+s2], $0x40, $0x38;
	[tilespmem:$0x4100] =	vst v63  }
0x95: {  	_ =	swait.ge [sflag:s19], $0x40  }
0x96: {  	[sflag:s19] =	ssyncset.done $0x0  }
0x97: {  	[sflag:s19] =	ssyncadd.s32 $0xFFFFFFC0  }
0x98: {  	[tilespmem:s21], [sflag:$0x1] =	stream.indirect.gather [hbm4b:s3+s25], $0x40, s2, s25, $0xb8;
	[tilespmem:$0x4100] =	vst v63  }
0x99: {  	s26 =	sadd.s32 $0x1, s26;
	_ =	swait.ge [sflag:s23], $0x1000  }
0x9a: {  	p0 =	sne.s32 s26, s7;
	[sflag:s23] =	ssyncset.done $0x0  }
.Ltmp1:
0x9b: {  	[sflag:s23] =	ssyncadd.s32 $0xFFFFF000;
	(pc) =	sbr.rel @p0 .LBB2_1-.Ltmp1, $4  }
0x9c: {  	[hbm4b:s16+s2] =	stream.linear.scatter [tilespmem:s21], [sflag:$0x3], $0x1000, $0x38;
	[tilespmem:$0x4100] =	vst v63  }
0x9d: {  	_ =	swait.ge [sflag:s19], $0x1000  }
0x9e: {  	[sflag:s19] =	ssyncset.done $0x0  }
0x9f: {  	[sflag:s19] =	ssyncadd.s32 $0xFFFFF000  }
0xa0: {  	_ =	sfence.sel $0x180000  }
0xa1: {  	[bflag:$0x0] =	sbarrier.arrive $0xFFFF  }
0xa2: {  	_ =	strace $0x9000004A  }
0xa3: {  	[bflag:$0x2] =	sbarrier.arrive $0xFFFF  }
0xa4: {  	p0 =	sne.s32 s1, $0x0;
	s0 =	rddreg [dreg:$0x1]  }
0xa5: {  	s0 =	sadd.s32 @!p0 $0x100000, s0  }
0xa6: {  	[sflag:s0] =	ssyncadd.tile.s32 @!p0 $0x1;
	_ =	shalt  }
.Lfunc_end2:
_tile_overlayer_lowered:
.L_overlay_start_2:
0xa7: {  	(tag) =	ssettag $0x2  }
0xa8: {  	s0 =	rddreg [dreg:$0x0];
	s2 =	stileid.u32  }
0xa9: {  	s1 =	rddreg [dreg:$0x1];
	p0 =	sne.s32 s2, $0x0  }
0xaa: {  	s3 =	rddreg [dreg:$0x2];
	[bflag:$0x3] =	sbarrier.arrive $0xFFFF;
	s2 =	simm.s32 @!p0 $0x1C03  }
0xab: {  	[timem:s3], [sflag:s2] =	dma.local @!p0 [hbm:s0], s1  }
0xac: {  	s0 =	simm.s32 @!p0 $0x3  }
0xad: {  	_ =	swait.ge @!p0 [sflag:s0], s1  }
0xae: {  	s1 =	ssub.s32 @!p0 $0x0, s1;
	[sflag:s0] =	ssyncset.done @!p0 $0x0  }
0xaf: {  	[sflag:s0] =	ssyncadd.s32 @!p0 s1  }
0xb0: {  	[bflag:$0x3] =	sbarrier.arrive $0xFFFF  }
0xb1: {  	_ =	shalt  }

// kernel: sparse-core-data-format-call.cloned.1.call-start
scs
called_computation_lowered:
.L_overlay_start_0:
0x0: {  	s1 =	sld [smem:$0x3FD9]  }
0x1: {  	s2 =	sld [smem:$0x3FFE];
	_ =	sdelay $0x1  }
0x2: {  	s3 =	srdreg.scid  }
0x3: {  	s0 =	sand.u32 $0x1, s3  }
0x4: {  	s17 =	sshll.u32 s0, $0xA;
	s1 =	sadd.s32 s2, s1  }
0x5: {  	s1 =	sadd.s32 s1, s17  }
0x6: {  	[smem:$0x3FC4] =	sst s1  }
0x7: {  	_ = 	snop  }
0x8: {  	(tm) =	ssettm $0x1  }
0x9: {  	s18 =	sld [smem:$0x3FFB];
	_ =	sdelay $0x3  }
0xa: {  	_ =	strace s18  }
0xb: {  	s1 =	sld [smem:$0x3FFC];
	_ =	sdelay $0x3  }
0xc: {  	_ =	strace s1  }
0xd: {  	s1 =	sld [smem:$0x3FFD];
	_ =	sdelay $0x3  }
0xe: {  	_ =	strace s1  }
0xf: {  	_ =	strace $0x8FFFFFFF  }
0x10: {  	s19 =	sld [smem:$0x3FDB];
	_ =	sdelay $0x1  }
0x11: {  	s20 =	simm.s32 $_scs_section_size  }
0x12: {  	s4 =	simm.s32 $_size__tile_overlayer_lowered;
	s5 =	simm.s32 $_tile_overlayer_lowered  }
0x13: {  	s23 =	simm.s32 $0x1BFF;
	s22 =	sshll.u32 s5, $0x1;
	s1 =	sadd.s32 s20, s19  }
0x14: {  	s6 =	simm.s32 $0x0;
	s21 =	sshll.u32 s4, $0x1;
	s4 =	sadd.s32 s22, s1  }
0x15: {  	[timem:s6], [sflag:s23] =	dma.local [hbm:s4], s21  }
0x16: {  	_ =	swait.ge [sflag:s23], s21  }
0x17: {  	s2 =	ssub.s32 $0x0, s21;
	[sflag:s23] =	ssyncset.done $0x0  }
0x18: {  	[sflag:s23] =	ssyncadd.s32 s2;
	_ =	sdelay $0x1  }
0x19: {  	s24 =	simm.s32 $0x1B8B  }
0x1a: {  	_ =	swait.ge [sflag:s24], $0x1  }
0x1b: {  	[sflag:s24] =	ssyncset.done $0x0  }
0x1c: {  	s26 =	simm.s32 $0x1B8E;
	s25 =	sld [smem:$0x3FFE];
	[sflag:s24] =	ssyncadd.s32 $0xFFFFFFFF  }
0x1d: {  	s27 =	simm.s32 $execute0_lowered;
	[smem:$0x3FD2] =	sst s26  }
0x1e: {  	s4 =	sshll.u32 s27, $0x1;
	_ =	strace $0x80000046;
	[dreg:$0x1] =	wrdreg $0xFFFFFFFF  }
0x1f: {  	s28 =	simm.s32 $_size_execute0_lowered;
	s1 =	sadd.s32 s1, s4;
	[dreg:$0x0] =	wrdreg $0x0  }
0x20: {  	s4 =	sshll.u32 s28, $0x1;
	[dreg:$0x2] =	wrdreg s1  }
0x21: {  	[dreg:$0x3] =	wrdreg s4  }
0x22: {  	[dreg:$0x4] =	wrdreg $0xC0  }
0x23: {  	_ =	task [dreg:s6], $0x5FFFF  }
0x24: {  	[dreg:$0x1] =	wrdreg $0xFFFFFFFF  }
0x25: {  	[dreg:$0x0] =	wrdreg $0x60  }
0x26: {  	[dreg:$0x2] =	wrdreg s25  }
0x27: {  	[dreg:$0x3] =	wrdreg $0x9  }
0x28: {  	_ =	task.clear_ibuf [dreg:s6], $0x4FFFF;
	_ =	strace $0x90000046  }
0x29: {  	s29 =	simm.s32 $0x9;
	_ =	strace $0x80000048  }
0x2a: {  	_ =	swait.ge [sflag:s29], $0x1  }
0x2b: {  	[sflag:s29] =	ssyncadd.s32 $0xFFFFFFFF  }
0x2c: {  	_ =	strace $0x90000048  }
0x2d: {  	_ =	sfence  }
0x2e: {  	s30 =	sld [smem:$0x0];
	_ =	sdelay $0x2  }
0x2f: {  	s31 =	sshll.u32 s3, $0xD;
	s3 =	sshrl.u32 s3, $0x2  }
0x30: {  	s2 =	sand.u32 $0x4000, s31;
	s1 =	sadd.s32 s3, s30  }
0x31: {  	s0 =	sor.u32 s2, s0;
	s1 =	sshll.u32 s1, $0x11  }
0x32: {  	s0 =	sor.u32 s1, s0  }
0x33: {  	s0 =	sadd.s32 $0x8F2B, s0  }
0x34: {  	[sflag:s0] =	ssyncadd.remote.s32 $0x1  }
0x35: {  	_ =	sfence.sel $0xFFFF  }
0x36: {  	[dreg:$0x0] =	wrdreg $0xFFFFFFFF;
	(pc) =	sbr.abs _section_cstart, $3  }
0x37: {  	[dreg:$0x1] =	wrdreg $0xFFFFFFFF  }
0x38: {  	_ =	task.clear_ibuf [dreg:s6], $0x2FFFF;
	_ =	strace $0x9FFFFFFF  }
0x39: {  	(tm) =	ssettm $0x7FFFFFFF  }
tec
execute0_lowered:
.L_overlay_start_1:
0x0: {  	(tag) =	ssettag $0x1  }
0x1: {  	s0 =	srdreg.scid  }
0x2: {  	s5 =	rddreg [dreg:$0x0];
	s1 =	stileid.u32;
	s4 =	simm.s32 $0x1  }
0x3: {  	s6 =	simm.s32 $0x2;
	s15 =	simm.s32 $0x0;
	p0 =	por $0x0, $0x0  }
0x4: {  	s8 =	simm.s32 $0x80;
	s14 =	simm.s32 $0x0;
	s2 =	sshll.u32 s0, $0x4  }
0x5: {  	s9 =	simm.s32 $0x0;
	s10 =	simm.s32 $0x0;
	s2 =	sand.u32 $0x10, s2  }
.Ltmp0:
0x6: {  	s12 =	simm.s32 $0x0;
	s3 =	sor.u32 s1, s2;
	(pc) =	sbr.rel .LBB1_1-.Ltmp0, $4  }
0x7: {  	s0 =	rddreg [dreg:$0x1];
	_ =	strace $0x80000047;
	s3 =	sshll.u32 s3, $0x7  }
0x8: {  	s13 =	simm.s32 $0x0;
	[sflag:s4] =	ssyncpa.u1 $0x0;
	s7 =	ssub.s32 $0xF4200, s3  }
0x9: {  	s2 =	sadd.s32 $0x2000, s5;
	[sflag:s6] =	ssyncpa.u1 $0x0;
	s6 =	sshrl.u32 s7, $0xC  }
0xa: {  	s5 =	sadd.s32 $0x7A3400, s5;
	s11 =	smov.u32 s3;
	s7 =	sadd.s32 $0x2, s6  }
.LBB1_5:
0xb: {  	p1 =	slt.u32 s13, $0x2  }
0xc: {  	s17 =	smov.u32 s15;
	p2 =	sgt.s32 @!p1 s15, $0xF41C0;
	s16 =	sshra.s32 @!p1 s15, $0x1F  }
0xd: {  	p3 =	sgt.s32 @!p1 s14, $0x40;
	s18 =	sshra.s32 @!p1 s14, $0x1F;
	p2 =	por !p2, p1  }
0xe: {  	s15 =	sand.u32 @!p1 s16, s15;
	p3 =	por !p3, p1;
	s16 =	smov.u32 s14  }
0xf: {  	s14 =	sand.u32 @!p1 s18, s14;
	s17 =	simm.s32 @p2 $0xF41C0;
	s16 =	simm.s32 @p3 $0x40  }
0x10: {  	s15 =	ssub.s32 @!p1 s17, s15;
	s14 =	ssub.s32 @!p1 s16, s14  }
0x11: {  	s18 =	smov.u32 s12;
	s16 =	sadd.s32 @!p1 $0xFFF0BE40, s15;
	s17 =	sadd.s32 @!p1 $0xFFFFFFC0, s14  }
0x12: {  	s15 =	ssub.s32 @!p1 $0xF4240, s15;
	p2 =	sgt.s32 @!p1 s16, $0x7F;
	p3 =	sgt.s32 @!p1 s17, $0x3F  }
0x13: {  	s14 =	ssub.s32 @!p1 $0x80, s14;
	p2 =	por !p2, p1;
	p3 =	por !p3, p1  }
0x14: {  	s16 =	sadd.s32 $0x1000, s11;
	s15 =	simm.s32 @!p2 $0x0;
	s14 =	simm.s32 @!p3 $0x0  }
0x15: {  	p2 =	sgt.s32 s16, $0xF423F;
	s14 =	smul.u32 @!p1 s14, s15;
	s15 =	sadd.s32 $0x40, s12  }
0x16: {  	s18 =	smov.u32 @p2 s15  }
0x17: {  	s16 =	smov.u32 @p2 s3;
	p2 =	sgt.s32 s18, $0x3F  }
0x18: {  	s18 =	simm.s32 @p2 $0x0;
	p2 =	sne.s32 s13, s7  }
.Ltmp1:
0x19: {  	p0 =	por !p0, !p0;
	s17 =	simm.s32 @!p1 $0x2;
	(pc) =	sbr.rel @!p2 .LBB1_6-.Ltmp1, $4  }
0x1a: {  	s15 =	smov.u32 s9;
	s9 =	smov.u32 s11;
	s14 =	sand.u32 @!p1 $0x3FFFFFFF, s14  }
0x1b: {  	s11 =	smov.u32 s16;
	_ =	swait.ge @!p1 [sflag:s17], s14;
	s19 =	ssub.s32 @!p1 $0x0, s14  }
0x1c: {  	s14 =	smov.u32 s10;
	s13 =	sadd.s32 $0x1, s13;
	[sflag:s17] =	ssyncset.done @!p1 $0x0  }
0x1d: {  	s10 =	smov.u32 s12;
	s12 =	smov.u32 s18;
	[sflag:s17] =	ssyncadd.s32 @!p1 s19  }
.LBB1_1:
0x1e: {  	p1 =	sgt.u32 s13, s6  }
0x1f: {  	s16 =	sshrl.u32 @!p1 s12, $0x3  }
0x20: {  	s17 =	sshll.u32 @!p1 s11, $0x3;
	s16 =	smul.u32 @!p1 $0x7A1400, s16  }
0x21: {  	s18 =	sshll.u32 @!p1 s12, $0x7;
	s17 =	sand.u32 @!p1 $0xFFFFFC00, s17  }
0x22: {  	s16 =	sadd.s32 @!p1 s16, s17;
	s17 =	sand.u32 @!p1 $0x380, s18  }
0x23: {  	s18 =	sand.u32 @!p1 $0x7F, s11;
	s16 =	sor.u32 @!p1 s17, s16  }
0x24: {  	s17 =	sor.u32 @!p1 s18, s16  }
0x25: {  	s18 =	smulhi.u32 @!p1 $0x218D6287, s17;
	_ =	sdelay $0x1  }
0x26: {  	s16 =	smulhi.u32 @!p1 $0x218D6287, s16;
	s18 =	sshrl.u32 @!p1 s18, $0x11  }
0x27: {  	s18 =	smul.u32 @!p1 $0xF4280, s18  }
0x28: {  	s19 =	sxor.u32 @!p1 $0xFFFFFFFF, s13;
	s16 =	sshrl.u32 @!p1 s16, $0x11  }
0x29: {  	s19 =	sshll.u32 @!p1 s19, $0xD;
	s16 =	sand.u32 @!p1 $0x3F, s16;
	s17 =	ssub.s32 @!p1 s17, s18  }
0x2a: {  	s16 =	smul.u32 @!p1 $0x1E850, s16;
	s18 =	sshrl.u32 @!p1 s17, $0x3;
	s17 =	sand.u32 @!p1 $0x7, s17  }
0x2b: {  	s19 =	sand.u32 @!p1 $0x2000, s19;
	s18 =	sadd.s32 @!p1 s2, s18;
	s17 =	sshll.u32 @!p1 s17, $0x12  }
0x2c: {  	s16 =	sadd.s32 @!p1 s16, s18;
	s17 =	sor.u32 @!p1 $0x400, s17;
	s18 =	simm.s32 @!p1 $0x7A1400  }
0x2d: {  	[tilespmem:s19], [sflag:$0x1] =	stream.strided.gather @!p1 [hbm4b:s16+s17], $0x2000, s18, s17, $0x38;
	[tilespmem:$0x8100] =	vst v63  }
0x2e: {  	p1 =	seq.s32 s13, $0x0  }
0x2f: {  	p2 =	sge.u32 @!p1 s13, s7  }
0x30: {  	p1 =	por p1, p2  }
.Ltmp2:
0x31: {  	_ = 	snop;
	(pc) =	sbr.rel @p1 .LBB1_5-.Ltmp2, $1  }
0x32: {  	_ =	sdelay $0x3  }
0x33: {  	s16 =	simm.s32 $0x1  }
0x34: {  	_ =	swait.ge [sflag:s4], $0x2000;
	s16 =	simm.s32 @!p0 $0x0  }
0x35: {  	[sflag:s4] =	ssyncset.done $0x0;
	s17 =	sshll.u32 s16, $0xD  }
0x36: {  	[sflag:s4] =	ssyncadd.s32 $0xFFFFE000;
	s17 =	sor.u32 $0x40, s17  }
0x37: {  	s16 =	smul.u32 $0x8200, s16;
	v0 =	vld [tilespmem:s17+$0x30]  }
0x38: {  	v1 =	vld [tilespmem:s17+$0xFFFFFFD0]  }
0x39: {  	s16 =	sshrl.u32 s16, $0x2;
	v5 =	vld [tilespmem:s17+$0xFFFFFFE0]  }
0x3a: {  	v6 =	vld [tilespmem:s17+$0xFFFFFFF0];
	s19 =	sor.u32 $0x4000, s16  }
0x3b: {  	s31 =	sand.u32 $0x1, s13;
	v4 =	vld [tilespmem:s17+$0x0];
	s18 =	sadd.s32 $0x0, s19  }
0x3c: {  	v3 =	vld [tilespmem:s17+$0x10];
	s16 =	smul.u32 $0x8200, s31;
	[tilespmem:s18+$0x1C70 ss:$0x41] =	vst.msk $0xffff, v0  }
0x3d: {  	v2 =	vld [tilespmem:s17+$0x20];
	[tilespmem:s18+$0x410 ss:$0x41] =	vst.msk $0xffff, v1  }
0x3e: {  	s16 =	sshrl.u32 s16, $0x2;
	v1 =	vld [tilespmem:s17+$0xFFFFFFC0];
	[tilespmem:s18+$0x820 ss:$0x41] =	vst.msk $0xffff, v5;
	s17 =	sadd.s32 $0x80, s17  }
0x3f: {  	s20 =	simm.s32 $0x4;
	s21 =	simm.s32 $0x8;
	s16 =	sor.u32 $0x4000, s16;
	[tilespmem:s18+$0xC30 ss:$0x41] =	vst.msk $0xffff, v6;
	v0 =	vld [tilespmem:s17+$0x30]  }
.LBB1_3:
0x40: {  	p1 =	sne.s32 s21, $0xFC;
	v5 =	vld [tilespmem:s17+$0xFFFFFFD0];
	[tilespmem:s18+$0x1040 ss:$0x41] =	vst.msk $0xffff, v4  }
0x41: {  	v6 =	vld [tilespmem:s17+$0xFFFFFFE0];
	[tilespmem:s18+$0x1450 ss:$0x41] =	vst.msk $0xffff, v3  }
0x42: {  	s22 =	sshra.s32 s20, $0x2;
	s20 =	smov.u32 s21;
	v7 =	vld [tilespmem:s17+$0xFFFFFFF0];
	[tilespmem:s18+$0x1860 ss:$0x41] =	vst.msk $0xffff, v2  }
.Ltmp3:
0x43: {  	v4 =	vld [tilespmem:s17+$0x0];
	[tilespmem:s18+$0x0 ss:$0x41] =	vst.msk $0xffff, v1;
	s18 =	sadd.s32 s22, s19;
	(pc) =	sbr.rel @p1 .LBB1_3-.Ltmp3, $4  }
0x44: {  	v3 =	vld [tilespmem:s17+$0x10];
	[tilespmem:s18+$0x1C70 ss:$0x41] =	vst.msk $0xffff, v0  }
0x45: {  	[tilespmem:s18+$0x410 ss:$0x41] =	vst.msk $0xffff, v5;
	v2 =	vld [tilespmem:s17+$0x20]  }
0x46: {  	v1 =	vld [tilespmem:s17+$0xFFFFFFC0];
	[tilespmem:s18+$0x820 ss:$0x41] =	vst.msk $0xffff, v6;
	s17 =	sadd.s32 $0x80, s17  }
0x47: {  	s21 =	sadd.s32 $0x4, s21;
	v0 =	vld [tilespmem:s17+$0x30];
	[tilespmem:s18+$0xC30 ss:$0x41] =	vst.msk $0xffff, v7  }
0x48: {  	s21 =	sshll.u32 s9, $0x7;
	s22 =	sshll.u32 s10, $0x3;
	s20 =	sshra.s32 s20, $0x2  }
0x49: {  	p1 =	sgt.s32 s9, $0xF41C0;
	s30 =	sshra.s32 s9, $0x1F;
	s25 =	sshra.s32 s10, $0x1F  }
0x4a: {  	v5 =	vld [tilespmem:s17+$0xFFFFFFD0];
	s28 =	sshrl.u32 s10, $0x3;
	s23 =	sand.u32 $0xFFFFFC00, s21;
	s22 =	sand.u32 $0xFFFFFC00, s22  }
0x4b: {  	[tilespmem:s18+$0x1040 ss:$0x41] =	vst.msk $0xffff, v4;
	v58 =	vld [tilespmem:s17+$0xFFFFFFE0];
	s21 =	sand.u32 $0x380, s21;
	s19 =	sadd.s32 s20, s19;
	s22 =	sadd.s32 s22, s23  }
0x4c: {  	v59 =	vld [tilespmem:s17+$0xFFFFFFF0];
	[tilespmem:s18+$0x1450 ss:$0x41] =	vst.msk $0xffff, v3;
	s29 =	sor.u32 s21, s22;
	s21 =	smov.u32 s9;
	s22 =	sand.u32 s30, s9  }
0x4d: {  	v60 =	vld [tilespmem:s17+$0x0];
	[tilespmem:s18+$0x1860 ss:$0x41] =	vst.msk $0xffff, v2;
	s30 =	sand.u32 $0x7, s10;
	s20 =	sshrl.u32 s29, $0x7;
	s21 =	simm.s32 @!p1 $0xF41C0  }
0x4e: {  	v61 =	vld [tilespmem:s17+$0x10];
	[tilespmem:s18+$0x0 ss:$0x41] =	vst.msk $0xffff, v1;
	p1 =	sgt.s32 s10, $0x40;
	s24 =	ssub.s32 s21, s22;
	s21 =	smov.u32 s10  }
0x4f: {  	v62 =	vld [tilespmem:s17+$0x20];
	[tilespmem:s19+$0x1C70 ss:$0x41] =	vst.msk $0xffff, v0;
	s31 =	smulhi.u32 $0x218DEF5, s20;
	s22 =	sand.u32 s25, s10;
	s21 =	simm.s32 @!p1 $0x40  }
0x50: {  	v63 =	vld [tilespmem:s17+$0xFFFFFFC0];
	[tilespmem:s19+$0x410 ss:$0x41] =	vst.msk $0xffff, v5;
	s26 =	sadd.s32 $0xFFF0BE40, s24;
	s17 =	ssub.s32 $0xF4240, s24;
	s21 =	ssub.s32 s21, s22  }
0x51: {  	[tilespmem:s19+$0x820 ss:$0x41] =	vst.msk $0xffff, v58;
	s23 =	sshrl.u32 s31, $0xD;
	p1 =	sgt.s32 s26, $0x7F;
	s27 =	sadd.s32 $0xFFFFFFC0, s21  }
0x52: {  	[tilespmem:s19+$0xC30 ss:$0x41] =	vst.msk $0xffff, v59;
	s23 =	smul.u32 $0xF4240, s23;
	s18 =	ssub.s32 $0x80, s21;
	p2 =	sgt.s32 s27, $0x3F  }
.Ltmp4:
0x53: {  	[tilespmem:s19+$0x1040 ss:$0x41] =	vst.msk $0xffff, v60;
	s17 =	simm.s32 @p1 $0x0;
	s18 =	simm.s32 @p2 $0x0;
	(pc) =	sbr.rel .LBB1_5-.Ltmp4, $4  }
0x54: {  	s29 =	sand.u32 $0xF, s28;
	[tilespmem:s19+$0x1450 ss:$0x41] =	vst.msk $0xffff, v61;
	s20 =	ssub.s32 s20, s23;
	s17 =	smul.u32 s18, s17  }
0x55: {  	[tilespmem:s19+$0x1860 ss:$0x41] =	vst.msk $0xffff, v62;
	s21 =	sshll.u32 s30, $0x12;
	s20 =	sshll.u32 s20, $0x4;
	s18 =	sadd.s32 s5, s29  }
0x56: {  	[tilespmem:s19+$0x0 ss:$0x41] =	vst.msk $0xffff, v63;
	s31 =	sor.u32 $0x40, s21;
	s18 =	sadd.s32 s20, s18;
	s17 =	sand.u32 $0x3FFFFFFF, s17  }
0x57: {  	[hbm4b:s18+s31] =	stream.strided.scatter [tilespmem:s16], [sflag:$0x2], s17, s8, s31, $0x18;
	[tilespmem:$0x8100] =	vst v63  }
.LBB1_6:
0x58: {  	_ =	sfence.sel $0x180000  }
0x59: {  	s2 =	simm.s32 $0x1;
	[bflag:$0x0] =	sbarrier.arrive $0xFFFF  }
0x5a: {  	s31 =	simm.s32 $0x2;
	[sflag:s2] =	ssyncpa.u1 $0x1  }
0x5b: {  	[sflag:s31] =	ssyncpa.u1 $0x1  }
0x5c: {  	p0 =	sne.s32 s1, $0x0;
	_ =	strace $0x90000047  }
0x5d: {  	s0 =	sadd.s32 @!p0 $0x100000, s0;
	[bflag:$0x2] =	sbarrier.arrive $0xFFFF  }
0x5e: {  	[sflag:s0] =	ssyncadd.tile.s32 @!p0 $0x1;
	_ =	shalt  }
.Lfunc_end1:
_tile_overlayer_lowered:
.L_overlay_start_2:
0x5f: {  	(tag) =	ssettag $0x2  }
0x60: {  	s0 =	rddreg [dreg:$0x0];
	s2 =	stileid.u32  }
0x61: {  	s1 =	rddreg [dreg:$0x1];
	p0 =	sne.s32 s2, $0x0  }
0x62: {  	s3 =	rddreg [dreg:$0x2];
	[bflag:$0x3] =	sbarrier.arrive $0xFFFF;
	s2 =	simm.s32 @!p0 $0x1C01  }
0x63: {  	[timem:s3], [sflag:s2] =	dma.local @!p0 [hbm:s0], s1  }
0x64: {  	s0 =	simm.s32 @!p0 $0x1  }
0x65: {  	_ =	swait.ge @!p0 [sflag:s0], s1  }
0x66: {  	s1 =	ssub.s32 @!p0 $0x0, s1;
	[sflag:s0] =	ssyncset.done @!p0 $0x0  }
0x67: {  	[sflag:s0] =	ssyncadd.s32 @!p0 s1  }
0x68: {  	[bflag:$0x3] =	sbarrier.arrive $0xFFFF  }
0x69: {  	_ =	shalt  }

</sc_bundles>
